<compile_context>
chip_gen: v7x
topology: tpu7x:2x2x1
jax: 0.10.2.dev20260603
libtpu: 0.0.44.dev20260713+nightly
codegen_flags: <defaults>
</compile_context>

<pallas_src>
import functools

import jax
import jax.numpy as jnp
from jax import lax
from jax.experimental import pallas as pl
from jax.experimental.pallas import tpu as pltpu
from jax.experimental.pallas import tpu_sc as plsc

BATCH = 16384
EMBED_DIM = 64
ROWS = 2000000
ITEM_OFFSET = 1000000

NSLOT = 3

A_STRIDE = (ROWS // 128) * 8 * 128
B_STRIDE = 8 * 128
C_STRIDE = 128


def _sc_dot(xf, tflat):
    info = plsc.get_sparse_core_info()
    nc, ns = info.num_cores, info.num_subcores
    nw = nc * ns
    bpw = BATCH // nw
    sizes = [bpw // 4] * 4
    assert sum(sizes) == bpw and bpw % 128 == 0
    starts = [sum(sizes[:q]) for q in range(len(sizes))]
    qmax = max(sizes)
    idx_per_q = qmax * EMBED_DIM

    def body(xf_hbm, tflat_hbm, out_hbm, *scratch):
        xu_v, xi_v = scratch[0], scratch[1]
        bufs = []
        for s in range(NSLOT):
            bufs.append((scratch[2 + 2 * s], scratch[3 + 2 * s],
                         scratch[2 + 2 * NSLOT + 2 * s],
                         scratch[3 + 2 * NSLOT + 2 * s],
                         scratch[3 + 4 * NSLOT + s]))
        out_v = scratch[2 + 4 * NSLOT]
        semx = scratch[3 + 4 * NSLOT + NSLOT]

        wid = lax.axis_index("s") * nc + lax.axis_index("c")
        base = wid * bpw

        xcps = []
        for bb in range(bpw // 128):
            fb = (wid * (bpw // 128) + bb) * 256
            xcps.append(pltpu.async_copy(
                xf_hbm.at[pl.ds(fb, 128)],
                xu_v.at[pl.ds(bb * 128, 128)], semx))
            xcps.append(pltpu.async_copy(
                xf_hbm.at[pl.ds(fb + 128, 128)],
                xi_v.at[pl.ds(bb * 128, 128)], semx))
        for cp in xcps:
            cp.wait()

        def gen_q(h0, rows, idx_u, idx_i):

            def gen(g, carry):
                u = xu_v[pl.ds(h0 + g * 16, 16)]
                it = xi_v[pl.ds(h0 + g * 16, 16)] + ITEM_OFFSET
                bu = lax.shift_right_logical(u, 7) * B_STRIDE + (u & 127)
                bi = lax.shift_right_logical(it, 7) * B_STRIDE + (it & 127)

                def gen_a(a, carry2):
                    for c in range(8):
                        off = a * A_STRIDE + c * C_STRIDE
                        p = g * 1024 + a * 128 + c * 16
                        idx_u[pl.ds(p, 16)] = bu + off
                        idx_i[pl.ds(p, 16)] = bi + off
                    return carry2

                return lax.fori_loop(0, 8, gen_a, carry)

            lax.fori_loop(0, rows // 16, gen, 0)

        def fire_q(rows, idx_u, idx_i, dst_u, dst_i, sem):
            n = rows * EMBED_DIM
            return [pltpu.async_copy(tflat_hbm.at[idx_u.at[pl.ds(0, n)]],
                                     dst_u.at[pl.ds(0, n)], sem),
                    pltpu.async_copy(tflat_hbm.at[idx_i.at[pl.ds(0, n)]],
                                     dst_i.at[pl.ds(0, n)], sem)]

        def dot_q(h0, rows, dst_u, dst_i):

            def dot(g, carry):
                def dot_k(k, acc):
                    p = g * 1024 + k * 64
                    return (acc
                            + dst_u[pl.ds(p, 16)] * dst_i[pl.ds(p, 16)]
                            + dst_u[pl.ds(p + 16, 16)] * dst_i[pl.ds(p + 16, 16)]
                            + dst_u[pl.ds(p + 32, 16)] * dst_i[pl.ds(p + 32, 16)]
                            + dst_u[pl.ds(p + 48, 16)] * dst_i[pl.ds(p + 48, 16)])

                acc = lax.fori_loop(0, EMBED_DIM // 4, dot_k,
                                    jnp.zeros((16,), jnp.float32))
                out_v[pl.ds(h0 + g * 16, 16)] = acc
                return carry

            lax.fori_loop(0, rows // 16, dot, 0)

        nq = len(sizes)
        inflight = {}
        for q in range(nq):
            slot = q % NSLOT
            if q >= NSLOT:
                for cp in inflight[q - NSLOT]:
                    cp.wait()
                dot_q(starts[q - NSLOT], sizes[q - NSLOT],
                      bufs[slot][2], bufs[slot][3])
            gen_q(starts[q], sizes[q], bufs[slot][0], bufs[slot][1])
            inflight[q] = fire_q(sizes[q], *bufs[slot])
        for q in range(max(0, nq - NSLOT), nq):
            slot = q % NSLOT
            for cp in inflight[q]:
                cp.wait()
            dot_q(starts[q], sizes[q], bufs[slot][2], bufs[slot][3])

        pltpu.sync_copy(out_v, out_hbm.at[pl.ds(base, bpw)])

    mesh = plsc.VectorSubcoreMesh(core_axis_name="c", subcore_axis_name="s")
    scratch_types = (
        [pltpu.VMEM((bpw,), jnp.int32)] * 2
        + [pltpu.VMEM((idx_per_q,), jnp.int32)] * (2 * NSLOT)
        + [pltpu.VMEM((idx_per_q,), jnp.float32)] * (2 * NSLOT)
        + [pltpu.VMEM((bpw,), jnp.float32)]
        + [pltpu.SemaphoreType.DMA] * (NSLOT + 1)
    )
    kern = functools.partial(
        pl.kernel,
        out_type=jax.ShapeDtypeStruct((BATCH,), jnp.float32),
        mesh=mesh,
        compiler_params=pltpu.CompilerParams(needs_layout_passes=False,
                                             use_tc_tiling_on_sc=False),
        scratch_types=scratch_types,
    )(body)
    return kern(xf, tflat)


def kernel(x, table):
    x = x.astype(jnp.int32)
    tflat = (table.T.reshape(8, 8, ROWS // 128, 128)
             .transpose(0, 2, 1, 3).reshape(-1))
    xf = x.T.reshape(2, BATCH // 128, 128).transpose(1, 0, 2).reshape(-1)
    y = _sc_dot(xf, tflat)
    return y.reshape(BATCH, 1)

# --- scband reference (transcript-rebuilt; emitter-appended) ---
"""Pipeline reference for scband-mfmodel-7919919694078 (READ-ONLY COPY).

The authoritative reference and input builder live on the scoring server;
editing this copy changes nothing except your own understanding.
"""

import jax, jax.numpy as jnp
import numpy as np

FIELD_DIMS = [1000000, 1000000]
EMBED_DIM = 64
BATCH = 16384

def setup_inputs(seed: int = 0) -> dict:
    key = jax.random.key(seed)
    k_x, k_tab = jax.random.split(key)
    x = jax.random.randint(k_x, (BATCH, 2), 0, FIELD_DIMS[0], dtype=jnp.int64 if jax.config.jax_enable_x64 else jnp.int32)
    total_rows = sum(FIELD_DIMS)
    # FeaturesEmbedding typically uses xavier-uniform-like init; normal scaled is fine for a reference
    table = jax.random.normal(k_tab, (total_rows, EMBED_DIM), dtype=jnp.float32) * 0.01
    return {"x": x, "table": table}

def reference(x, table):
    # FeaturesEmbedding: add per-field offsets into a single concatenated table, then gather
    offsets = jnp.asarray(np.array((0,) + tuple(np.cumsum(FIELD_DIMS)[:-1]), dtype=np.int64), dtype=x.dtype)
    idx = x + offsets[None, :]            # [B, 2]
    x_embed = jnp.take(table, idx, axis=0)  # [B, 2, D]
    user_embed = x_embed[:, 0]            # [B, D]
    item_embed = x_embed[:, 1]            # [B, D]
    dot = jnp.sum(user_embed * item_embed, axis=1)  # [B]
    y = dot.reshape(dot.shape[0], -1)     # [B, 1]
    return y

if __name__ == "__main__":
    import jax
    _d = setup_inputs()
    print(jax.jit(kernel)(*tuple(_d.values())))

</pallas_src>

<mosaic_0001>
#map = affine_map<(d0, d1) -> (0)>
module attributes {stable_mosaic.version = 14 : i64} {
  func.func @body(%arg0: i32, %arg1: i32, %arg2: memref<32768xi32, #tpu.memory_space<hbm>>, %arg3: memref<128000000xf32, #tpu.memory_space<hbm>>, %arg4: memref<16384xf32, #tpu.memory_space<hbm>>, %arg5: memref<512xi32, #tpu.memory_space<vmem>>, %arg6: memref<512xi32, #tpu.memory_space<vmem>>, %arg7: memref<8192xi32, #tpu.memory_space<vmem>>, %arg8: memref<8192xi32, #tpu.memory_space<vmem>>, %arg9: memref<8192xi32, #tpu.memory_space<vmem>>, %arg10: memref<8192xi32, #tpu.memory_space<vmem>>, %arg11: memref<8192xi32, #tpu.memory_space<vmem>>, %arg12: memref<8192xi32, #tpu.memory_space<vmem>>, %arg13: memref<8192xf32, #tpu.memory_space<vmem>>, %arg14: memref<8192xf32, #tpu.memory_space<vmem>>, %arg15: memref<8192xf32, #tpu.memory_space<vmem>>, %arg16: memref<8192xf32, #tpu.memory_space<vmem>>, %arg17: memref<8192xf32, #tpu.memory_space<vmem>>, %arg18: memref<8192xf32, #tpu.memory_space<vmem>>, %arg19: memref<512xf32, #tpu.memory_space<vmem>>, %arg20: memref<!tpu.dma_semaphore, #tpu.memory_space<semaphore_mem>>, %arg21: memref<!tpu.dma_semaphore, #tpu.memory_space<semaphore_mem>>, %arg22: memref<!tpu.dma_semaphore, #tpu.memory_space<semaphore_mem>>, %arg23: memref<!tpu.dma_semaphore, #tpu.memory_space<semaphore_mem>>) attributes {dimension_semantics = [#tpu.dimension_semantics<core_parallel>, #tpu.dimension_semantics<subcore_parallel>], iteration_bounds = array<i64: 2, 16>, scalar_prefetch = 0 : i64, scratch_operands = 19 : i64, tpu.core_type = #tpu.core_type<sc_vector_subcore>, window_params = [{transform_indices = #map}, {transform_indices = #map}, {transform_indices = #map}]} {
    %mul3A = arith.constant 2 : i32
    %mul3A_0 = arith.muli %arg1, %mul3A : i32
    %add3A = arith.addi %mul3A_0, %arg0 : i32
    %mul3A_1 = arith.constant 512 : i32
    %mul3A_2 = arith.muli %add3A, %mul3A_1 : i32
    %mul3A_3 = arith.constant 4 : i32
    %mul3A_4 = arith.muli %add3A, %mul3A_3 : i32
    %add3A_5 = arith.constant 0 : i32
    %add3A_6 = arith.addi %mul3A_4, %add3A_5 : i32
    %mul3A_7 = arith.constant 256 : i32
    %mul3A_8 = arith.muli %add3A_6, %mul3A_7 : i32
    %dma_start3A = arith.constant 0 : i32
    %dma_start3A_9 = tpu.memref_slice %arg5[%dma_start3A] : memref<512xi32, #tpu.memory_space<vmem>> -> memref<128xi32, #tpu.memory_space<vmem>>
    %dma_start3A_10 = tpu.memref_slice %arg2[%mul3A_8] : memref<32768xi32, #tpu.memory_space<hbm>> -> memref<128xi32, #tpu.memory_space<hbm>>
    %dma_start3A_11 = arith.constant 0 : i32
    %dma_start3A_12 = tpu.memref_slice %arg5[%dma_start3A_11] : memref<512xi32, #tpu.memory_space<vmem>> -> memref<128xi32, #tpu.memory_space<vmem>>
    %dma_start3A_13 = tpu.memref_slice %arg2[%mul3A_8] : memref<32768xi32, #tpu.memory_space<hbm>> -> memref<128xi32, #tpu.memory_space<hbm>>
    tpu.enqueue_dma source(%dma_start3A_13 : memref<128xi32, #tpu.memory_space<hbm>>) target(%dma_start3A_12 : memref<128xi32, #tpu.memory_space<vmem>>) target_semaphore(%arg23 : memref<!tpu.dma_semaphore, #tpu.memory_space<semaphore_mem>>)
    %add3A_14 = arith.constant 128 : i32
    %add3A_15 = arith.addi %mul3A_8, %add3A_14 : i32
    %dma_start3A_16 = arith.constant 0 : i32
    %dma_start3A_17 = tpu.memref_slice %arg6[%dma_start3A_16] : memref<512xi32, #tpu.memory_space<vmem>> -> memref<128xi32, #tpu.memory_space<vmem>>
    %dma_start3A_18 = tpu.memref_slice %arg2[%add3A_15] : memref<32768xi32, #tpu.memory_space<hbm>> -> memref<128xi32, #tpu.memory_space<hbm>>
    %dma_start3A_19 = arith.constant 0 : i32
    %dma_start3A_20 = tpu.memref_slice %arg6[%dma_start3A_19] : memref<512xi32, #tpu.memory_space<vmem>> -> memref<128xi32, #tpu.memory_space<vmem>>
    %dma_start3A_21 = tpu.memref_slice %arg2[%add3A_15] : memref<32768xi32, #tpu.memory_space<hbm>> -> memref<128xi32, #tpu.memory_space<hbm>>
    tpu.enqueue_dma source(%dma_start3A_21 : memref<128xi32, #tpu.memory_space<hbm>>) target(%dma_start3A_20 : memref<128xi32, #tpu.memory_space<vmem>>) target_semaphore(%arg23 : memref<!tpu.dma_semaphore, #tpu.memory_space<semaphore_mem>>)
    %mul3A_22 = arith.constant 4 : i32
    %mul3A_23 = arith.muli %add3A, %mul3A_22 : i32
    %add3A_24 = arith.constant 1 : i32
    %add3A_25 = arith.addi %mul3A_23, %add3A_24 : i32
    %mul3A_26 = arith.constant 256 : i32
    %mul3A_27 = arith.muli %add3A_25, %mul3A_26 : i32
    %dma_start3A_28 = arith.constant 128 : i32
    %dma_start3A_29 = tpu.memref_slice %arg5[%dma_start3A_28] : memref<512xi32, #tpu.memory_space<vmem>> -> memref<128xi32, #tpu.memory_space<vmem>>
    %dma_start3A_30 = tpu.memref_slice %arg2[%mul3A_27] : memref<32768xi32, #tpu.memory_space<hbm>> -> memref<128xi32, #tpu.memory_space<hbm>>
    %dma_start3A_31 = arith.constant 128 : i32
    %dma_start3A_32 = tpu.memref_slice %arg5[%dma_start3A_31] : memref<512xi32, #tpu.memory_space<vmem>> -> memref<128xi32, #tpu.memory_space<vmem>>
    %dma_start3A_33 = tpu.memref_slice %arg2[%mul3A_27] : memref<32768xi32, #tpu.memory_space<hbm>> -> memref<128xi32, #tpu.memory_space<hbm>>
    tpu.enqueue_dma source(%dma_start3A_33 : memref<128xi32, #tpu.memory_space<hbm>>) target(%dma_start3A_32 : memref<128xi32, #tpu.memory_space<vmem>>) target_semaphore(%arg23 : memref<!tpu.dma_semaphore, #tpu.memory_space<semaphore_mem>>)
    %add3A_34 = arith.constant 128 : i32
    %add3A_35 = arith.addi %mul3A_27, %add3A_34 : i32
    %dma_start3A_36 = arith.constant 128 : i32
    %dma_start3A_37 = tpu.memref_slice %arg6[%dma_start3A_36] : memref<512xi32, #tpu.memory_space<vmem>> -> memref<128xi32, #tpu.memory_space<vmem>>
    %dma_start3A_38 = tpu.memref_slice %arg2[%add3A_35] : memref<32768xi32, #tpu.memory_space<hbm>> -> memref<128xi32, #tpu.memory_space<hbm>>
    %dma_start3A_39 = arith.constant 128 : i32
    %dma_start3A_40 = tpu.memref_slice %arg6[%dma_start3A_39] : memref<512xi32, #tpu.memory_space<vmem>> -> memref<128xi32, #tpu.memory_space<vmem>>
    %dma_start3A_41 = tpu.memref_slice %arg2[%add3A_35] : memref<32768xi32, #tpu.memory_space<hbm>> -> memref<128xi32, #tpu.memory_space<hbm>>
    tpu.enqueue_dma source(%dma_start3A_41 : memref<128xi32, #tpu.memory_space<hbm>>) target(%dma_start3A_40 : memref<128xi32, #tpu.memory_space<vmem>>) target_semaphore(%arg23 : memref<!tpu.dma_semaphore, #tpu.memory_space<semaphore_mem>>)
    %mul3A_42 = arith.constant 4 : i32
    %mul3A_43 = arith.muli %add3A, %mul3A_42 : i32
    %add3A_44 = arith.constant 2 : i32
    %add3A_45 = arith.addi %mul3A_43, %add3A_44 : i32
    %mul3A_46 = arith.constant 256 : i32
    %mul3A_47 = arith.muli %add3A_45, %mul3A_46 : i32
    %dma_start3A_48 = arith.constant 256 : i32
    %dma_start3A_49 = tpu.memref_slice %arg5[%dma_start3A_48] : memref<512xi32, #tpu.memory_space<vmem>> -> memref<128xi32, #tpu.memory_space<vmem>>
    %dma_start3A_50 = tpu.memref_slice %arg2[%mul3A_47] : memref<32768xi32, #tpu.memory_space<hbm>> -> memref<128xi32, #tpu.memory_space<hbm>>
    %dma_start3A_51 = arith.constant 256 : i32
    %dma_start3A_52 = tpu.memref_slice %arg5[%dma_start3A_51] : memref<512xi32, #tpu.memory_space<vmem>> -> memref<128xi32, #tpu.memory_space<vmem>>
    %dma_start3A_53 = tpu.memref_slice %arg2[%mul3A_47] : memref<32768xi32, #tpu.memory_space<hbm>> -> memref<128xi32, #tpu.memory_space<hbm>>
    tpu.enqueue_dma source(%dma_start3A_53 : memref<128xi32, #tpu.memory_space<hbm>>) target(%dma_start3A_52 : memref<128xi32, #tpu.memory_space<vmem>>) target_semaphore(%arg23 : memref<!tpu.dma_semaphore, #tpu.memory_space<semaphore_mem>>)
    %add3A_54 = arith.constant 128 : i32
    %add3A_55 = arith.addi %mul3A_47, %add3A_54 : i32
    %dma_start3A_56 = arith.constant 256 : i32
    %dma_start3A_57 = tpu.memref_slice %arg6[%dma_start3A_56] : memref<512xi32, #tpu.memory_space<vmem>> -> memref<128xi32, #tpu.memory_space<vmem>>
    %dma_start3A_58 = tpu.memref_slice %arg2[%add3A_55] : memref<32768xi32, #tpu.memory_space<hbm>> -> memref<128xi32, #tpu.memory_space<hbm>>
    %dma_start3A_59 = arith.constant 256 : i32
    %dma_start3A_60 = tpu.memref_slice %arg6[%dma_start3A_59] : memref<512xi32, #tpu.memory_space<vmem>> -> memref<128xi32, #tpu.memory_space<vmem>>
    %dma_start3A_61 = tpu.memref_slice %arg2[%add3A_55] : memref<32768xi32, #tpu.memory_space<hbm>> -> memref<128xi32, #tpu.memory_space<hbm>>
    tpu.enqueue_dma source(%dma_start3A_61 : memref<128xi32, #tpu.memory_space<hbm>>) target(%dma_start3A_60 : memref<128xi32, #tpu.memory_space<vmem>>) target_semaphore(%arg23 : memref<!tpu.dma_semaphore, #tpu.memory_space<semaphore_mem>>)
    %mul3A_62 = arith.constant 4 : i32
    %mul3A_63 = arith.muli %add3A, %mul3A_62 : i32
    %add3A_64 = arith.constant 3 : i32
    %add3A_65 = arith.addi %mul3A_63, %add3A_64 : i32
    %mul3A_66 = arith.constant 256 : i32
    %mul3A_67 = arith.muli %add3A_65, %mul3A_66 : i32
    %dma_start3A_68 = arith.constant 384 : i32
    %dma_start3A_69 = tpu.memref_slice %arg5[%dma_start3A_68] : memref<512xi32, #tpu.memory_space<vmem>> -> memref<128xi32, #tpu.memory_space<vmem>>
    %dma_start3A_70 = tpu.memref_slice %arg2[%mul3A_67] : memref<32768xi32, #tpu.memory_space<hbm>> -> memref<128xi32, #tpu.memory_space<hbm>>
    %dma_start3A_71 = arith.constant 384 : i32
    %dma_start3A_72 = tpu.memref_slice %arg5[%dma_start3A_71] : memref<512xi32, #tpu.memory_space<vmem>> -> memref<128xi32, #tpu.memory_space<vmem>>
    %dma_start3A_73 = tpu.memref_slice %arg2[%mul3A_67] : memref<32768xi32, #tpu.memory_space<hbm>> -> memref<128xi32, #tpu.memory_space<hbm>>
    tpu.enqueue_dma source(%dma_start3A_73 : memref<128xi32, #tpu.memory_space<hbm>>) target(%dma_start3A_72 : memref<128xi32, #tpu.memory_space<vmem>>) target_semaphore(%arg23 : memref<!tpu.dma_semaphore, #tpu.memory_space<semaphore_mem>>)
    %add3A_74 = arith.constant 128 : i32
    %add3A_75 = arith.addi %mul3A_67, %add3A_74 : i32
    %dma_start3A_76 = arith.constant 384 : i32
    %dma_start3A_77 = tpu.memref_slice %arg6[%dma_start3A_76] : memref<512xi32, #tpu.memory_space<vmem>> -> memref<128xi32, #tpu.memory_space<vmem>>
    %dma_start3A_78 = tpu.memref_slice %arg2[%add3A_75] : memref<32768xi32, #tpu.memory_space<hbm>> -> memref<128xi32, #tpu.memory_space<hbm>>
    %dma_start3A_79 = arith.constant 384 : i32
    %dma_start3A_80 = tpu.memref_slice %arg6[%dma_start3A_79] : memref<512xi32, #tpu.memory_space<vmem>> -> memref<128xi32, #tpu.memory_space<vmem>>
    %dma_start3A_81 = tpu.memref_slice %arg2[%add3A_75] : memref<32768xi32, #tpu.memory_space<hbm>> -> memref<128xi32, #tpu.memory_space<hbm>>
    tpu.enqueue_dma source(%dma_start3A_81 : memref<128xi32, #tpu.memory_space<hbm>>) target(%dma_start3A_80 : memref<128xi32, #tpu.memory_space<vmem>>) target_semaphore(%arg23 : memref<!tpu.dma_semaphore, #tpu.memory_space<semaphore_mem>>)
    %dma_wait3A = arith.constant 0 : i32
    %dma_wait3A_82 = tpu.memref_slice %arg5[%dma_wait3A] : memref<512xi32, #tpu.memory_space<vmem>> -> memref<128xi32, #tpu.memory_space<vmem>>
    %dma_wait3A_83 = tpu.memref_slice %arg2[%mul3A_8] : memref<32768xi32, #tpu.memory_space<hbm>> -> memref<128xi32, #tpu.memory_space<hbm>>
    %dma_wait3A_84 = arith.constant 0 : i32
    %dma_wait3A_85 = tpu.memref_slice %arg5[%dma_wait3A_84] : memref<512xi32, #tpu.memory_space<vmem>> -> memref<128xi32, #tpu.memory_space<vmem>>
    %dma_wait3A_86 = tpu.memref_slice %arg2[%mul3A_8] : memref<32768xi32, #tpu.memory_space<hbm>> -> memref<128xi32, #tpu.memory_space<hbm>>
    tpu.wait_dma2 semaphore(%arg23 : memref<!tpu.dma_semaphore, #tpu.memory_space<semaphore_mem>>) src(%dma_wait3A_86 : memref<128xi32, #tpu.memory_space<hbm>>) dst(%dma_wait3A_85 : memref<128xi32, #tpu.memory_space<vmem>>)
    %dma_wait3A_87 = arith.constant 0 : i32
    %dma_wait3A_88 = tpu.memref_slice %arg6[%dma_wait3A_87] : memref<512xi32, #tpu.memory_space<vmem>> -> memref<128xi32, #tpu.memory_space<vmem>>
    %dma_wait3A_89 = tpu.memref_slice %arg2[%add3A_15] : memref<32768xi32, #tpu.memory_space<hbm>> -> memref<128xi32, #tpu.memory_space<hbm>>
    %dma_wait3A_90 = arith.constant 0 : i32
    %dma_wait3A_91 = tpu.memref_slice %arg6[%dma_wait3A_90] : memref<512xi32, #tpu.memory_space<vmem>> -> memref<128xi32, #tpu.memory_space<vmem>>
    %dma_wait3A_92 = tpu.memref_slice %arg2[%add3A_15] : memref<32768xi32, #tpu.memory_space<hbm>> -> memref<128xi32, #tpu.memory_space<hbm>>
    tpu.wait_dma2 semaphore(%arg23 : memref<!tpu.dma_semaphore, #tpu.memory_space<semaphore_mem>>) src(%dma_wait3A_92 : memref<128xi32, #tpu.memory_space<hbm>>) dst(%dma_wait3A_91 : memref<128xi32, #tpu.memory_space<vmem>>)
    %dma_wait3A_93 = arith.constant 128 : i32
    %dma_wait3A_94 = tpu.memref_slice %arg5[%dma_wait3A_93] : memref<512xi32, #tpu.memory_space<vmem>> -> memref<128xi32, #tpu.memory_space<vmem>>
    %dma_wait3A_95 = tpu.memref_slice %arg2[%mul3A_27] : memref<32768xi32, #tpu.memory_space<hbm>> -> memref<128xi32, #tpu.memory_space<hbm>>
    %dma_wait3A_96 = arith.constant 128 : i32
    %dma_wait3A_97 = tpu.memref_slice %arg5[%dma_wait3A_96] : memref<512xi32, #tpu.memory_space<vmem>> -> memref<128xi32, #tpu.memory_space<vmem>>
    %dma_wait3A_98 = tpu.memref_slice %arg2[%mul3A_27] : memref<32768xi32, #tpu.memory_space<hbm>> -> memref<128xi32, #tpu.memory_space<hbm>>
    tpu.wait_dma2 semaphore(%arg23 : memref<!tpu.dma_semaphore, #tpu.memory_space<semaphore_mem>>) src(%dma_wait3A_98 : memref<128xi32, #tpu.memory_space<hbm>>) dst(%dma_wait3A_97 : memref<128xi32, #tpu.memory_space<vmem>>)
    %dma_wait3A_99 = arith.constant 128 : i32
    %dma_wait3A_100 = tpu.memref_slice %arg6[%dma_wait3A_99] : memref<512xi32, #tpu.memory_space<vmem>> -> memref<128xi32, #tpu.memory_space<vmem>>
    %dma_wait3A_101 = tpu.memref_slice %arg2[%add3A_35] : memref<32768xi32, #tpu.memory_space<hbm>> -> memref<128xi32, #tpu.memory_space<hbm>>
    %dma_wait3A_102 = arith.constant 128 : i32
    %dma_wait3A_103 = tpu.memref_slice %arg6[%dma_wait3A_102] : memref<512xi32, #tpu.memory_space<vmem>> -> memref<128xi32, #tpu.memory_space<vmem>>
    %dma_wait3A_104 = tpu.memref_slice %arg2[%add3A_35] : memref<32768xi32, #tpu.memory_space<hbm>> -> memref<128xi32, #tpu.memory_space<hbm>>
    tpu.wait_dma2 semaphore(%arg23 : memref<!tpu.dma_semaphore, #tpu.memory_space<semaphore_mem>>) src(%dma_wait3A_104 : memref<128xi32, #tpu.memory_space<hbm>>) dst(%dma_wait3A_103 : memref<128xi32, #tpu.memory_space<vmem>>)
    %dma_wait3A_105 = arith.constant 256 : i32
    %dma_wait3A_106 = tpu.memref_slice %arg5[%dma_wait3A_105] : memref<512xi32, #tpu.memory_space<vmem>> -> memref<128xi32, #tpu.memory_space<vmem>>
    %dma_wait3A_107 = tpu.memref_slice %arg2[%mul3A_47] : memref<32768xi32, #tpu.memory_space<hbm>> -> memref<128xi32, #tpu.memory_space<hbm>>
    %dma_wait3A_108 = arith.constant 256 : i32
    %dma_wait3A_109 = tpu.memref_slice %arg5[%dma_wait3A_108] : memref<512xi32, #tpu.memory_space<vmem>> -> memref<128xi32, #tpu.memory_space<vmem>>
    %dma_wait3A_110 = tpu.memref_slice %arg2[%mul3A_47] : memref<32768xi32, #tpu.memory_space<hbm>> -> memref<128xi32, #tpu.memory_space<hbm>>
    tpu.wait_dma2 semaphore(%arg23 : memref<!tpu.dma_semaphore, #tpu.memory_space<semaphore_mem>>) src(%dma_wait3A_110 : memref<128xi32, #tpu.memory_space<hbm>>) dst(%dma_wait3A_109 : memref<128xi32, #tpu.memory_space<vmem>>)
    %dma_wait3A_111 = arith.constant 256 : i32
    %dma_wait3A_112 = tpu.memref_slice %arg6[%dma_wait3A_111] : memref<512xi32, #tpu.memory_space<vmem>> -> memref<128xi32, #tpu.memory_space<vmem>>
    %dma_wait3A_113 = tpu.memref_slice %arg2[%add3A_55] : memref<32768xi32, #tpu.memory_space<hbm>> -> memref<128xi32, #tpu.memory_space<hbm>>
    %dma_wait3A_114 = arith.constant 256 : i32
    %dma_wait3A_115 = tpu.memref_slice %arg6[%dma_wait3A_114] : memref<512xi32, #tpu.memory_space<vmem>> -> memref<128xi32, #tpu.memory_space<vmem>>
    %dma_wait3A_116 = tpu.memref_slice %arg2[%add3A_55] : memref<32768xi32, #tpu.memory_space<hbm>> -> memref<128xi32, #tpu.memory_space<hbm>>
    tpu.wait_dma2 semaphore(%arg23 : memref<!tpu.dma_semaphore, #tpu.memory_space<semaphore_mem>>) src(%dma_wait3A_116 : memref<128xi32, #tpu.memory_space<hbm>>) dst(%dma_wait3A_115 : memref<128xi32, #tpu.memory_space<vmem>>)
    %dma_wait3A_117 = arith.constant 384 : i32
    %dma_wait3A_118 = tpu.memref_slice %arg5[%dma_wait3A_117] : memref<512xi32, #tpu.memory_space<vmem>> -> memref<128xi32, #tpu.memory_space<vmem>>
    %dma_wait3A_119 = tpu.memref_slice %arg2[%mul3A_67] : memref<32768xi32, #tpu.memory_space<hbm>> -> memref<128xi32, #tpu.memory_space<hbm>>
    %dma_wait3A_120 = arith.constant 384 : i32
    %dma_wait3A_121 = tpu.memref_slice %arg5[%dma_wait3A_120] : memref<512xi32, #tpu.memory_space<vmem>> -> memref<128xi32, #tpu.memory_space<vmem>>
    %dma_wait3A_122 = tpu.memref_slice %arg2[%mul3A_67] : memref<32768xi32, #tpu.memory_space<hbm>> -> memref<128xi32, #tpu.memory_space<hbm>>
    tpu.wait_dma2 semaphore(%arg23 : memref<!tpu.dma_semaphore, #tpu.memory_space<semaphore_mem>>) src(%dma_wait3A_122 : memref<128xi32, #tpu.memory_space<hbm>>) dst(%dma_wait3A_121 : memref<128xi32, #tpu.memory_space<vmem>>)
    %dma_wait3A_123 = arith.constant 384 : i32
    %dma_wait3A_124 = tpu.memref_slice %arg6[%dma_wait3A_123] : memref<512xi32, #tpu.memory_space<vmem>> -> memref<128xi32, #tpu.memory_space<vmem>>
    %dma_wait3A_125 = tpu.memref_slice %arg2[%add3A_75] : memref<32768xi32, #tpu.memory_space<hbm>> -> memref<128xi32, #tpu.memory_space<hbm>>
    %dma_wait3A_126 = arith.constant 384 : i32
    %dma_wait3A_127 = tpu.memref_slice %arg6[%dma_wait3A_126] : memref<512xi32, #tpu.memory_space<vmem>> -> memref<128xi32, #tpu.memory_space<vmem>>
    %dma_wait3A_128 = tpu.memref_slice %arg2[%add3A_75] : memref<32768xi32, #tpu.memory_space<hbm>> -> memref<128xi32, #tpu.memory_space<hbm>>
    tpu.wait_dma2 semaphore(%arg23 : memref<!tpu.dma_semaphore, #tpu.memory_space<semaphore_mem>>) src(%dma_wait3A_128 : memref<128xi32, #tpu.memory_space<hbm>>) dst(%dma_wait3A_127 : memref<128xi32, #tpu.memory_space<vmem>>)
    %scan3A = arith.constant 0 : i32
    %scan3A_129 = arith.constant 0 : i32
    %scan3A_130 = arith.constant 8 : i32
    %scan3A_131 = arith.addi %scan3A_129, %scan3A_130 : i32
    %scan3A_132 = arith.constant 1 : i32
    scf.for %scan3A_272 = %scan3A_129 to %scan3A_131 step %scan3A_132  : i32 {
      %mul3A_273 = arith.constant 16 : i32
      %mul3A_274 = arith.muli %scan3A_272, %mul3A_273 : i32
      %add3A_275 = arith.constant 0 : i32
      %add3A_276 = arith.addi %add3A_275, %mul3A_274 : i32
      %get3A = arith.index_cast %add3A_276 : i32 to index
      %get3A_277 = tpu.vector_load %arg5[%get3A] {strides = array<i32>} : memref<512xi32, #tpu.memory_space<vmem>>, vector<16xi32>,
      %mul3A_278 = arith.constant 16 : i32
      %mul3A_279 = arith.muli %scan3A_272, %mul3A_278 : i32
      %add3A_280 = arith.constant 0 : i32
      %add3A_281 = arith.addi %add3A_280, %mul3A_279 : i32
      %get3A_282 = arith.index_cast %add3A_281 : i32 to index
      %get3A_283 = tpu.vector_load %arg6[%get3A_282] {strides = array<i32>} : memref<512xi32, #tpu.memory_space<vmem>>, vector<16xi32>,
      %add3A_284 = arith.constant 1000000 : i32
      %add3A_285 = vector.broadcast %add3A_284 : i32 to vector<16xi32>
      %add3A_286 = arith.addi %get3A_283, %add3A_285 : vector<16xi32>
      %shift_right_logical3A = arith.constant 7 : i32
      %shift_right_logical3A_287 = vector.broadcast %shift_right_logical3A : i32 to vector<16xi32>
      %shift_right_logical3A_288 = arith.shrui %get3A_277, %shift_right_logical3A_287 : vector<16xi32>
      %mul3A_289 = arith.constant 1024 : i32
      %mul3A_290 = vector.broadcast %mul3A_289 : i32 to vector<16xi32>
      %mul3A_291 = arith.muli %shift_right_logical3A_288, %mul3A_290 : vector<16xi32>
      %and3A = arith.constant 127 : i32
      %and3A_292 = vector.broadcast %and3A : i32 to vector<16xi32>
      %and3A_293 = arith.andi %get3A_277, %and3A_292 : vector<16xi32>
      %add3A_294 = arith.addi %mul3A_291, %and3A_293 : vector<16xi32>
      %shift_right_logical3A_295 = arith.constant 7 : i32
      %shift_right_logical3A_296 = vector.broadcast %shift_right_logical3A_295 : i32 to vector<16xi32>
      %shift_right_logical3A_297 = arith.shrui %add3A_286, %shift_right_logical3A_296 : vector<16xi32>
      %mul3A_298 = arith.constant 1024 : i32
      %mul3A_299 = vector.broadcast %mul3A_298 : i32 to vector<16xi32>
      %mul3A_300 = arith.muli %shift_right_logical3A_297, %mul3A_299 : vector<16xi32>
      %and3A_301 = arith.constant 127 : i32
      %and3A_302 = vector.broadcast %and3A_301 : i32 to vector<16xi32>
      %and3A_303 = arith.andi %add3A_286, %and3A_302 : vector<16xi32>
      %add3A_304 = arith.addi %mul3A_300, %and3A_303 : vector<16xi32>
      %scan3A_305 = arith.constant 0 : i32
      %scan3A_306 = arith.constant 8 : i32
      %scan3A_307 = arith.addi %scan3A_305, %scan3A_306 : i32
      %scan3A_308 = arith.constant 1 : i32
      scf.for %scan3A_310 = %scan3A_305 to %scan3A_307 step %scan3A_308  : i32 {
        %mul3A_311 = arith.constant 16000000 : i32
        %mul3A_312 = arith.muli %scan3A_310, %mul3A_311 : i32
        %add3A_313 = arith.constant 0 : i32
        %add3A_314 = arith.addi %mul3A_312, %add3A_313 : i32
        %mul3A_315 = arith.constant 1024 : i32
        %mul3A_316 = arith.muli %scan3A_272, %mul3A_315 : i32
        %mul3A_317 = arith.constant 128 : i32
        %mul3A_318 = arith.muli %scan3A_310, %mul3A_317 : i32
        %add3A_319 = arith.addi %mul3A_316, %mul3A_318 : i32
        %add3A_320 = arith.constant 0 : i32
        %add3A_321 = arith.addi %add3A_319, %add3A_320 : i32
        %add3A_322 = vector.broadcast %add3A_314 : i32 to vector<16xi32>
        %add3A_323 = arith.addi %add3A_294, %add3A_322 : vector<16xi32>
        %swap3A = arith.index_cast %add3A_321 : i32 to index
        %swap3A_324 = tpu.vector_load %arg7[%swap3A] {strides = array<i32>} : memref<8192xi32, #tpu.memory_space<vmem>>, vector<16xi32>,
        tpu.vector_store %arg7[%swap3A], %add3A_323 {strides = array<i32>} : memref<8192xi32, #tpu.memory_space<vmem>>, vector<16xi32>,
        %add3A_325 = vector.broadcast %add3A_314 : i32 to vector<16xi32>
        %add3A_326 = arith.addi %add3A_304, %add3A_325 : vector<16xi32>
        %swap3A_327 = arith.index_cast %add3A_321 : i32 to index
        %swap3A_328 = tpu.vector_load %arg8[%swap3A_327] {strides = array<i32>} : memref<8192xi32, #tpu.memory_space<vmem>>, vector<16xi32>,
        tpu.vector_store %arg8[%swap3A_327], %add3A_326 {strides = array<i32>} : memref<8192xi32, #tpu.memory_space<vmem>>, vector<16xi32>,
        %mul3A_329 = arith.constant 16000000 : i32
        %mul3A_330 = arith.muli %scan3A_310, %mul3A_329 : i32
        %add3A_331 = arith.constant 128 : i32
        %add3A_332 = arith.addi %mul3A_330, %add3A_331 : i32
        %mul3A_333 = arith.constant 1024 : i32
        %mul3A_334 = arith.muli %scan3A_272, %mul3A_333 : i32
        %mul3A_335 = arith.constant 128 : i32
        %mul3A_336 = arith.muli %scan3A_310, %mul3A_335 : i32
        %add3A_337 = arith.addi %mul3A_334, %mul3A_336 : i32
        %add3A_338 = arith.constant 16 : i32
        %add3A_339 = arith.addi %add3A_337, %add3A_338 : i32
        %add3A_340 = vector.broadcast %add3A_332 : i32 to vector<16xi32>
        %add3A_341 = arith.addi %add3A_294, %add3A_340 : vector<16xi32>
        %swap3A_342 = arith.index_cast %add3A_339 : i32 to index
        %swap3A_343 = tpu.vector_load %arg7[%swap3A_342] {strides = array<i32>} : memref<8192xi32, #tpu.memory_space<vmem>>, vector<16xi32>,
        tpu.vector_store %arg7[%swap3A_342], %add3A_341 {strides = array<i32>} : memref<8192xi32, #tpu.memory_space<vmem>>, vector<16xi32>,
        %add3A_344 = vector.broadcast %add3A_332 : i32 to vector<16xi32>
        %add3A_345 = arith.addi %add3A_304, %add3A_344 : vector<16xi32>
        %swap3A_346 = arith.index_cast %add3A_339 : i32 to index
        %swap3A_347 = tpu.vector_load %arg8[%swap3A_346] {strides = array<i32>} : memref<8192xi32, #tpu.memory_space<vmem>>, vector<16xi32>,
        tpu.vector_store %arg8[%swap3A_346], %add3A_345 {strides = array<i32>} : memref<8192xi32, #tpu.memory_space<vmem>>, vector<16xi32>,
        %mul3A_348 = arith.constant 16000000 : i32
        %mul3A_349 = arith.muli %scan3A_310, %mul3A_348 : i32
        %add3A_350 = arith.constant 256 : i32
        %add3A_351 = arith.addi %mul3A_349, %add3A_350 : i32
        %mul3A_352 = arith.constant 1024 : i32
        %mul3A_353 = arith.muli %scan3A_272, %mul3A_352 : i32
        %mul3A_354 = arith.constant 128 : i32
        %mul3A_355 = arith.muli %scan3A_310, %mul3A_354 : i32
        %add3A_356 = arith.addi %mul3A_353, %mul3A_355 : i32
        %add3A_357 = arith.constant 32 : i32
        %add3A_358 = arith.addi %add3A_356, %add3A_357 : i32
        %add3A_359 = vector.broadcast %add3A_351 : i32 to vector<16xi32>
        %add3A_360 = arith.addi %add3A_294, %add3A_359 : vector<16xi32>
        %swap3A_361 = arith.index_cast %add3A_358 : i32 to index
        %swap3A_362 = tpu.vector_load %arg7[%swap3A_361] {strides = array<i32>} : memref<8192xi32, #tpu.memory_space<vmem>>, vector<16xi32>,
        tpu.vector_store %arg7[%swap3A_361], %add3A_360 {strides = array<i32>} : memref<8192xi32, #tpu.memory_space<vmem>>, vector<16xi32>,
        %add3A_363 = vector.broadcast %add3A_351 : i32 to vector<16xi32>
        %add3A_364 = arith.addi %add3A_304, %add3A_363 : vector<16xi32>
        %swap3A_365 = arith.index_cast %add3A_358 : i32 to index
        %swap3A_366 = tpu.vector_load %arg8[%swap3A_365] {strides = array<i32>} : memref<8192xi32, #tpu.memory_space<vmem>>, vector<16xi32>,
        tpu.vector_store %arg8[%swap3A_365], %add3A_364 {strides = array<i32>} : memref<8192xi32, #tpu.memory_space<vmem>>, vector<16xi32>,
        %mul3A_367 = arith.constant 16000000 : i32
        %mul3A_368 = arith.muli %scan3A_310, %mul3A_367 : i32
        %add3A_369 = arith.constant 384 : i32
        %add3A_370 = arith.addi %mul3A_368, %add3A_369 : i32
        %mul3A_371 = arith.constant 1024 : i32
        %mul3A_372 = arith.muli %scan3A_272, %mul3A_371 : i32
        %mul3A_373 = arith.constant 128 : i32
        %mul3A_374 = arith.muli %scan3A_310, %mul3A_373 : i32
        %add3A_375 = arith.addi %mul3A_372, %mul3A_374 : i32
        %add3A_376 = arith.constant 48 : i32
        %add3A_377 = arith.addi %add3A_375, %add3A_376 : i32
        %add3A_378 = vector.broadcast %add3A_370 : i32 to vector<16xi32>
        %add3A_379 = arith.addi %add3A_294, %add3A_378 : vector<16xi32>
        %swap3A_380 = arith.index_cast %add3A_377 : i32 to index
        %swap3A_381 = tpu.vector_load %arg7[%swap3A_380] {strides = array<i32>} : memref<8192xi32, #tpu.memory_space<vmem>>, vector<16xi32>,
        tpu.vector_store %arg7[%swap3A_380], %add3A_379 {strides = array<i32>} : memref<8192xi32, #tpu.memory_space<vmem>>, vector<16xi32>,
        %add3A_382 = vector.broadcast %add3A_370 : i32 to vector<16xi32>
        %add3A_383 = arith.addi %add3A_304, %add3A_382 : vector<16xi32>
        %swap3A_384 = arith.index_cast %add3A_377 : i32 to index
        %swap3A_385 = tpu.vector_load %arg8[%swap3A_384] {strides = array<i32>} : memref<8192xi32, #tpu.memory_space<vmem>>, vector<16xi32>,
        tpu.vector_store %arg8[%swap3A_384], %add3A_383 {strides = array<i32>} : memref<8192xi32, #tpu.memory_space<vmem>>, vector<16xi32>,
        %mul3A_386 = arith.constant 16000000 : i32
        %mul3A_387 = arith.muli %scan3A_310, %mul3A_386 : i32
        %add3A_388 = arith.constant 512 : i32
        %add3A_389 = arith.addi %mul3A_387, %add3A_388 : i32
        %mul3A_390 = arith.constant 1024 : i32
        %mul3A_391 = arith.muli %scan3A_272, %mul3A_390 : i32
        %mul3A_392 = arith.constant 128 : i32
        %mul3A_393 = arith.muli %scan3A_310, %mul3A_392 : i32
        %add3A_394 = arith.addi %mul3A_391, %mul3A_393 : i32
        %add3A_395 = arith.constant 64 : i32
        %add3A_396 = arith.addi %add3A_394, %add3A_395 : i32
        %add3A_397 = vector.broadcast %add3A_389 : i32 to vector<16xi32>
        %add3A_398 = arith.addi %add3A_294, %add3A_397 : vector<16xi32>
        %swap3A_399 = arith.index_cast %add3A_396 : i32 to index
        %swap3A_400 = tpu.vector_load %arg7[%swap3A_399] {strides = array<i32>} : memref<8192xi32, #tpu.memory_space<vmem>>, vector<16xi32>,
        tpu.vector_store %arg7[%swap3A_399], %add3A_398 {strides = array<i32>} : memref<8192xi32, #tpu.memory_space<vmem>>, vector<16xi32>,
        %add3A_401 = vector.broadcast %add3A_389 : i32 to vector<16xi32>
        %add3A_402 = arith.addi %add3A_304, %add3A_401 : vector<16xi32>
        %swap3A_403 = arith.index_cast %add3A_396 : i32 to index
        %swap3A_404 = tpu.vector_load %arg8[%swap3A_403] {strides = array<i32>} : memref<8192xi32, #tpu.memory_space<vmem>>, vector<16xi32>,
        tpu.vector_store %arg8[%swap3A_403], %add3A_402 {strides = array<i32>} : memref<8192xi32, #tpu.memory_space<vmem>>, vector<16xi32>,
        %mul3A_405 = arith.constant 16000000 : i32
        %mul3A_406 = arith.muli %scan3A_310, %mul3A_405 : i32
        %add3A_407 = arith.constant 640 : i32
        %add3A_408 = arith.addi %mul3A_406, %add3A_407 : i32
        %mul3A_409 = arith.constant 1024 : i32
        %mul3A_410 = arith.muli %scan3A_272, %mul3A_409 : i32
        %mul3A_411 = arith.constant 128 : i32
        %mul3A_412 = arith.muli %scan3A_310, %mul3A_411 : i32
        %add3A_413 = arith.addi %mul3A_410, %mul3A_412 : i32
        %add3A_414 = arith.constant 80 : i32
        %add3A_415 = arith.addi %add3A_413, %add3A_414 : i32
        %add3A_416 = vector.broadcast %add3A_408 : i32 to vector<16xi32>
        %add3A_417 = arith.addi %add3A_294, %add3A_416 : vector<16xi32>
        %swap3A_418 = arith.index_cast %add3A_415 : i32 to index
        %swap3A_419 = tpu.vector_load %arg7[%swap3A_418] {strides = array<i32>} : memref<8192xi32, #tpu.memory_space<vmem>>, vector<16xi32>,
        tpu.vector_store %arg7[%swap3A_418], %add3A_417 {strides = array<i32>} : memref<8192xi32, #tpu.memory_space<vmem>>, vector<16xi32>,
        %add3A_420 = vector.broadcast %add3A_408 : i32 to vector<16xi32>
        %add3A_421 = arith.addi %add3A_304, %add3A_420 : vector<16xi32>
        %swap3A_422 = arith.index_cast %add3A_415 : i32 to index
        %swap3A_423 = tpu.vector_load %arg8[%swap3A_422] {strides = array<i32>} : memref<8192xi32, #tpu.memory_space<vmem>>, vector<16xi32>,
        tpu.vector_store %arg8[%swap3A_422], %add3A_421 {strides = array<i32>} : memref<8192xi32, #tpu.memory_space<vmem>>, vector<16xi32>,
        %mul3A_424 = arith.constant 16000000 : i32
        %mul3A_425 = arith.muli %scan3A_310, %mul3A_424 : i32
        %add3A_426 = arith.constant 768 : i32
        %add3A_427 = arith.addi %mul3A_425, %add3A_426 : i32
        %mul3A_428 = arith.constant 1024 : i32
        %mul3A_429 = arith.muli %scan3A_272, %mul3A_428 : i32
        %mul3A_430 = arith.constant 128 : i32
        %mul3A_431 = arith.muli %scan3A_310, %mul3A_430 : i32
        %add3A_432 = arith.addi %mul3A_429, %mul3A_431 : i32
        %add3A_433 = arith.constant 96 : i32
        %add3A_434 = arith.addi %add3A_432, %add3A_433 : i32
        %add3A_435 = vector.broadcast %add3A_427 : i32 to vector<16xi32>
        %add3A_436 = arith.addi %add3A_294, %add3A_435 : vector<16xi32>
        %swap3A_437 = arith.index_cast %add3A_434 : i32 to index
        %swap3A_438 = tpu.vector_load %arg7[%swap3A_437] {strides = array<i32>} : memref<8192xi32, #tpu.memory_space<vmem>>, vector<16xi32>,
        tpu.vector_store %arg7[%swap3A_437], %add3A_436 {strides = array<i32>} : memref<8192xi32, #tpu.memory_space<vmem>>, vector<16xi32>,
        %add3A_439 = vector.broadcast %add3A_427 : i32 to vector<16xi32>
        %add3A_440 = arith.addi %add3A_304, %add3A_439 : vector<16xi32>
        %swap3A_441 = arith.index_cast %add3A_434 : i32 to index
        %swap3A_442 = tpu.vector_load %arg8[%swap3A_441] {strides = array<i32>} : memref<8192xi32, #tpu.memory_space<vmem>>, vector<16xi32>,
        tpu.vector_store %arg8[%swap3A_441], %add3A_440 {strides = array<i32>} : memref<8192xi32, #tpu.memory_space<vmem>>, vector<16xi32>,
        %mul3A_443 = arith.constant 16000000 : i32
        %mul3A_444 = arith.muli %scan3A_310, %mul3A_443 : i32
        %add3A_445 = arith.constant 896 : i32
        %add3A_446 = arith.addi %mul3A_444, %add3A_445 : i32
        %mul3A_447 = arith.constant 1024 : i32
        %mul3A_448 = arith.muli %scan3A_272, %mul3A_447 : i32
        %mul3A_449 = arith.constant 128 : i32
        %mul3A_450 = arith.muli %scan3A_310, %mul3A_449 : i32
        %add3A_451 = arith.addi %mul3A_448, %mul3A_450 : i32
        %add3A_452 = arith.constant 112 : i32
        %add3A_453 = arith.addi %add3A_451, %add3A_452 : i32
        %add3A_454 = vector.broadcast %add3A_446 : i32 to vector<16xi32>
        %add3A_455 = arith.addi %add3A_294, %add3A_454 : vector<16xi32>
        %swap3A_456 = arith.index_cast %add3A_453 : i32 to index
        %swap3A_457 = tpu.vector_load %arg7[%swap3A_456] {strides = array<i32>} : memref<8192xi32, #tpu.memory_space<vmem>>, vector<16xi32>,
        tpu.vector_store %arg7[%swap3A_456], %add3A_455 {strides = array<i32>} : memref<8192xi32, #tpu.memory_space<vmem>>, vector<16xi32>,
        %add3A_458 = vector.broadcast %add3A_446 : i32 to vector<16xi32>
        %add3A_459 = arith.addi %add3A_304, %add3A_458 : vector<16xi32>
        %swap3A_460 = arith.index_cast %add3A_453 : i32 to index
        %swap3A_461 = tpu.vector_load %arg8[%swap3A_460] {strides = array<i32>} : memref<8192xi32, #tpu.memory_space<vmem>>, vector<16xi32>,
        tpu.vector_store %arg8[%swap3A_460], %add3A_459 {strides = array<i32>} : memref<8192xi32, #tpu.memory_space<vmem>>, vector<16xi32>,
      }
      %scan3A_309 = arith.constant 8 : i32
    }
    %scan3A_133 = arith.constant 8 : i32
    %dma_start3A_134 = arith.constant 0 : i32
    %dma_start3A_135 = tpu.memref_slice %arg13[%dma_start3A_134] : memref<8192xf32, #tpu.memory_space<vmem>> -> memref<8192xf32, #tpu.memory_space<vmem>>
    %dma_start3A_136 = arith.constant 0 : i32
    %dma_start3A_137 = tpu.memref_slice %arg7[%dma_start3A_136] : memref<8192xi32, #tpu.memory_space<vmem>> -> memref<8192xi32, #tpu.memory_space<vmem>>
    %dma_start3A_138 = arith.constant 0 : i32
    %dma_start3A_139 = tpu.memref_slice %arg3[%dma_start3A_138] : memref<128000000xf32, #tpu.memory_space<hbm>> -> memref<128000000xf32, #tpu.memory_space<hbm>>
    tpu.enqueue_indirect_dma source(%dma_start3A_139 : memref<128000000xf32, #tpu.memory_space<hbm>>) target(%dma_start3A_135 : memref<8192xf32, #tpu.memory_space<vmem>>) offsets(%dma_start3A_137 : memref<8192xi32, #tpu.memory_space<vmem>>) semaphore(%arg20 : memref<!tpu.dma_semaphore, #tpu.memory_space<semaphore_mem>>)
    %dma_start3A_140 = arith.constant 0 : i32
    %dma_start3A_141 = tpu.memref_slice %arg14[%dma_start3A_140] : memref<8192xf32, #tpu.memory_space<vmem>> -> memref<8192xf32, #tpu.memory_space<vmem>>
    %dma_start3A_142 = arith.constant 0 : i32
    %dma_start3A_143 = tpu.memref_slice %arg8[%dma_start3A_142] : memref<8192xi32, #tpu.memory_space<vmem>> -> memref<8192xi32, #tpu.memory_space<vmem>>
    %dma_start3A_144 = arith.constant 0 : i32
    %dma_start3A_145 = tpu.memref_slice %arg3[%dma_start3A_144] : memref<128000000xf32, #tpu.memory_space<hbm>> -> memref<128000000xf32, #tpu.memory_space<hbm>>
    tpu.enqueue_indirect_dma source(%dma_start3A_145 : memref<128000000xf32, #tpu.memory_space<hbm>>) target(%dma_start3A_141 : memref<8192xf32, #tpu.memory_space<vmem>>) offsets(%dma_start3A_143 : memref<8192xi32, #tpu.memory_space<vmem>>) semaphore(%arg20 : memref<!tpu.dma_semaphore, #tpu.memory_space<semaphore_mem>>)
    %scan3A_146 = arith.constant 0 : i32
    %scan3A_147 = arith.constant 0 : i32
    %scan3A_148 = arith.constant 8 : i32
    %scan3A_149 = arith.addi %scan3A_147, %scan3A_148 : i32
    %scan3A_150 = arith.constant 1 : i32
    scf.for %scan3A_272 = %scan3A_147 to %scan3A_149 step %scan3A_150  : i32 {
      %mul3A_273 = arith.constant 16 : i32
      %mul3A_274 = arith.muli %scan3A_272, %mul3A_273 : i32
      %add3A_275 = arith.constant 128 : i32
      %add3A_276 = arith.addi %add3A_275, %mul3A_274 : i32
      %get3A = arith.index_cast %add3A_276 : i32 to index
      %get3A_277 = tpu.vector_load %arg5[%get3A] {strides = array<i32>} : memref<512xi32, #tpu.memory_space<vmem>>, vector<16xi32>,
      %mul3A_278 = arith.constant 16 : i32
      %mul3A_279 = arith.muli %scan3A_272, %mul3A_278 : i32
      %add3A_280 = arith.constant 128 : i32
      %add3A_281 = arith.addi %add3A_280, %mul3A_279 : i32
      %get3A_282 = arith.index_cast %add3A_281 : i32 to index
      %get3A_283 = tpu.vector_load %arg6[%get3A_282] {strides = array<i32>} : memref<512xi32, #tpu.memory_space<vmem>>, vector<16xi32>,
      %add3A_284 = arith.constant 1000000 : i32
      %add3A_285 = vector.broadcast %add3A_284 : i32 to vector<16xi32>
      %add3A_286 = arith.addi %get3A_283, %add3A_285 : vector<16xi32>
      %shift_right_logical3A = arith.constant 7 : i32
      %shift_right_logical3A_287 = vector.broadcast %shift_right_logical3A : i32 to vector<16xi32>
      %shift_right_logical3A_288 = arith.shrui %get3A_277, %shift_right_logical3A_287 : vector<16xi32>
      %mul3A_289 = arith.constant 1024 : i32
      %mul3A_290 = vector.broadcast %mul3A_289 : i32 to vector<16xi32>
      %mul3A_291 = arith.muli %shift_right_logical3A_288, %mul3A_290 : vector<16xi32>
      %and3A = arith.constant 127 : i32
      %and3A_292 = vector.broadcast %and3A : i32 to vector<16xi32>
      %and3A_293 = arith.andi %get3A_277, %and3A_292 : vector<16xi32>
      %add3A_294 = arith.addi %mul3A_291, %and3A_293 : vector<16xi32>
      %shift_right_logical3A_295 = arith.constant 7 : i32
      %shift_right_logical3A_296 = vector.broadcast %shift_right_logical3A_295 : i32 to vector<16xi32>
      %shift_right_logical3A_297 = arith.shrui %add3A_286, %shift_right_logical3A_296 : vector<16xi32>
      %mul3A_298 = arith.constant 1024 : i32
      %mul3A_299 = vector.broadcast %mul3A_298 : i32 to vector<16xi32>
      %mul3A_300 = arith.muli %shift_right_logical3A_297, %mul3A_299 : vector<16xi32>
      %and3A_301 = arith.constant 127 : i32
      %and3A_302 = vector.broadcast %and3A_301 : i32 to vector<16xi32>
      %and3A_303 = arith.andi %add3A_286, %and3A_302 : vector<16xi32>
      %add3A_304 = arith.addi %mul3A_300, %and3A_303 : vector<16xi32>
      %scan3A_305 = arith.constant 0 : i32
      %scan3A_306 = arith.constant 8 : i32
      %scan3A_307 = arith.addi %scan3A_305, %scan3A_306 : i32
      %scan3A_308 = arith.constant 1 : i32
      scf.for %scan3A_310 = %scan3A_305 to %scan3A_307 step %scan3A_308  : i32 {
        %mul3A_311 = arith.constant 16000000 : i32
        %mul3A_312 = arith.muli %scan3A_310, %mul3A_311 : i32
        %add3A_313 = arith.constant 0 : i32
        %add3A_314 = arith.addi %mul3A_312, %add3A_313 : i32
        %mul3A_315 = arith.constant 1024 : i32
        %mul3A_316 = arith.muli %scan3A_272, %mul3A_315 : i32
        %mul3A_317 = arith.constant 128 : i32
        %mul3A_318 = arith.muli %scan3A_310, %mul3A_317 : i32
        %add3A_319 = arith.addi %mul3A_316, %mul3A_318 : i32
        %add3A_320 = arith.constant 0 : i32
        %add3A_321 = arith.addi %add3A_319, %add3A_320 : i32
        %add3A_322 = vector.broadcast %add3A_314 : i32 to vector<16xi32>
        %add3A_323 = arith.addi %add3A_294, %add3A_322 : vector<16xi32>
        %swap3A = arith.index_cast %add3A_321 : i32 to index
        %swap3A_324 = tpu.vector_load %arg9[%swap3A] {strides = array<i32>} : memref<8192xi32, #tpu.memory_space<vmem>>, vector<16xi32>,
        tpu.vector_store %arg9[%swap3A], %add3A_323 {strides = array<i32>} : memref<8192xi32, #tpu.memory_space<vmem>>, vector<16xi32>,
        %add3A_325 = vector.broadcast %add3A_314 : i32 to vector<16xi32>
        %add3A_326 = arith.addi %add3A_304, %add3A_325 : vector<16xi32>
        %swap3A_327 = arith.index_cast %add3A_321 : i32 to index
        %swap3A_328 = tpu.vector_load %arg10[%swap3A_327] {strides = array<i32>} : memref<8192xi32, #tpu.memory_space<vmem>>, vector<16xi32>,
        tpu.vector_store %arg10[%swap3A_327], %add3A_326 {strides = array<i32>} : memref<8192xi32, #tpu.memory_space<vmem>>, vector<16xi32>,
        %mul3A_329 = arith.constant 16000000 : i32
        %mul3A_330 = arith.muli %scan3A_310, %mul3A_329 : i32
        %add3A_331 = arith.constant 128 : i32
        %add3A_332 = arith.addi %mul3A_330, %add3A_331 : i32
        %mul3A_333 = arith.constant 1024 : i32
        %mul3A_334 = arith.muli %scan3A_272, %mul3A_333 : i32
        %mul3A_335 = arith.constant 128 : i32
        %mul3A_336 = arith.muli %scan3A_310, %mul3A_335 : i32
        %add3A_337 = arith.addi %mul3A_334, %mul3A_336 : i32
        %add3A_338 = arith.constant 16 : i32
        %add3A_339 = arith.addi %add3A_337, %add3A_338 : i32
        %add3A_340 = vector.broadcast %add3A_332 : i32 to vector<16xi32>
        %add3A_341 = arith.addi %add3A_294, %add3A_340 : vector<16xi32>
        %swap3A_342 = arith.index_cast %add3A_339 : i32 to index
        %swap3A_343 = tpu.vector_load %arg9[%swap3A_342] {strides = array<i32>} : memref<8192xi32, #tpu.memory_space<vmem>>, vector<16xi32>,
        tpu.vector_store %arg9[%swap3A_342], %add3A_341 {strides = array<i32>} : memref<8192xi32, #tpu.memory_space<vmem>>, vector<16xi32>,
        %add3A_344 = vector.broadcast %add3A_332 : i32 to vector<16xi32>
        %add3A_345 = arith.addi %add3A_304, %add3A_344 : vector<16xi32>
        %swap3A_346 = arith.index_cast %add3A_339 : i32 to index
        %swap3A_347 = tpu.vector_load %arg10[%swap3A_346] {strides = array<i32>} : memref<8192xi32, #tpu.memory_space<vmem>>, vector<16xi32>,
        tpu.vector_store %arg10[%swap3A_346], %add3A_345 {strides = array<i32>} : memref<8192xi32, #tpu.memory_space<vmem>>, vector<16xi32>,
        %mul3A_348 = arith.constant 16000000 : i32
        %mul3A_349 = arith.muli %scan3A_310, %mul3A_348 : i32
        %add3A_350 = arith.constant 256 : i32
        %add3A_351 = arith.addi %mul3A_349, %add3A_350 : i32
        %mul3A_352 = arith.constant 1024 : i32
        %mul3A_353 = arith.muli %scan3A_272, %mul3A_352 : i32
        %mul3A_354 = arith.constant 128 : i32
        %mul3A_355 = arith.muli %scan3A_310, %mul3A_354 : i32
        %add3A_356 = arith.addi %mul3A_353, %mul3A_355 : i32
        %add3A_357 = arith.constant 32 : i32
        %add3A_358 = arith.addi %add3A_356, %add3A_357 : i32
        %add3A_359 = vector.broadcast %add3A_351 : i32 to vector<16xi32>
        %add3A_360 = arith.addi %add3A_294, %add3A_359 : vector<16xi32>
        %swap3A_361 = arith.index_cast %add3A_358 : i32 to index
        %swap3A_362 = tpu.vector_load %arg9[%swap3A_361] {strides = array<i32>} : memref<8192xi32, #tpu.memory_space<vmem>>, vector<16xi32>,
        tpu.vector_store %arg9[%swap3A_361], %add3A_360 {strides = array<i32>} : memref<8192xi32, #tpu.memory_space<vmem>>, vector<16xi32>,
        %add3A_363 = vector.broadcast %add3A_351 : i32 to vector<16xi32>
        %add3A_364 = arith.addi %add3A_304, %add3A_363 : vector<16xi32>
        %swap3A_365 = arith.index_cast %add3A_358 : i32 to index
        %swap3A_366 = tpu.vector_load %arg10[%swap3A_365] {strides = array<i32>} : memref<8192xi32, #tpu.memory_space<vmem>>, vector<16xi32>,
        tpu.vector_store %arg10[%swap3A_365], %add3A_364 {strides = array<i32>} : memref<8192xi32, #tpu.memory_space<vmem>>, vector<16xi32>,
        %mul3A_367 = arith.constant 16000000 : i32
        %mul3A_368 = arith.muli %scan3A_310, %mul3A_367 : i32
        %add3A_369 = arith.constant 384 : i32
        %add3A_370 = arith.addi %mul3A_368, %add3A_369 : i32
        %mul3A_371 = arith.constant 1024 : i32
        %mul3A_372 = arith.muli %scan3A_272, %mul3A_371 : i32
        %mul3A_373 = arith.constant 128 : i32
        %mul3A_374 = arith.muli %scan3A_310, %mul3A_373 : i32
        %add3A_375 = arith.addi %mul3A_372, %mul3A_374 : i32
        %add3A_376 = arith.constant 48 : i32
        %add3A_377 = arith.addi %add3A_375, %add3A_376 : i32
        %add3A_378 = vector.broadcast %add3A_370 : i32 to vector<16xi32>
        %add3A_379 = arith.addi %add3A_294, %add3A_378 : vector<16xi32>
        %swap3A_380 = arith.index_cast %add3A_377 : i32 to index
        %swap3A_381 = tpu.vector_load %arg9[%swap3A_380] {strides = array<i32>} : memref<8192xi32, #tpu.memory_space<vmem>>, vector<16xi32>,
        tpu.vector_store %arg9[%swap3A_380], %add3A_379 {strides = array<i32>} : memref<8192xi32, #tpu.memory_space<vmem>>, vector<16xi32>,
        %add3A_382 = vector.broadcast %add3A_370 : i32 to vector<16xi32>
        %add3A_383 = arith.addi %add3A_304, %add3A_382 : vector<16xi32>
        %swap3A_384 = arith.index_cast %add3A_377 : i32 to index
        %swap3A_385 = tpu.vector_load %arg10[%swap3A_384] {strides = array<i32>} : memref<8192xi32, #tpu.memory_space<vmem>>, vector<16xi32>,
        tpu.vector_store %arg10[%swap3A_384], %add3A_383 {strides = array<i32>} : memref<8192xi32, #tpu.memory_space<vmem>>, vector<16xi32>,
        %mul3A_386 = arith.constant 16000000 : i32
        %mul3A_387 = arith.muli %scan3A_310, %mul3A_386 : i32
        %add3A_388 = arith.constant 512 : i32
        %add3A_389 = arith.addi %mul3A_387, %add3A_388 : i32
        %mul3A_390 = arith.constant 1024 : i32
        %mul3A_391 = arith.muli %scan3A_272, %mul3A_390 : i32
        %mul3A_392 = arith.constant 128 : i32
        %mul3A_393 = arith.muli %scan3A_310, %mul3A_392 : i32
        %add3A_394 = arith.addi %mul3A_391, %mul3A_393 : i32
        %add3A_395 = arith.constant 64 : i32
        %add3A_396 = arith.addi %add3A_394, %add3A_395 : i32
        %add3A_397 = vector.broadcast %add3A_389 : i32 to vector<16xi32>
        %add3A_398 = arith.addi %add3A_294, %add3A_397 : vector<16xi32>
        %swap3A_399 = arith.index_cast %add3A_396 : i32 to index
        %swap3A_400 = tpu.vector_load %arg9[%swap3A_399] {strides = array<i32>} : memref<8192xi32, #tpu.memory_space<vmem>>, vector<16xi32>,
        tpu.vector_store %arg9[%swap3A_399], %add3A_398 {strides = array<i32>} : memref<8192xi32, #tpu.memory_space<vmem>>, vector<16xi32>,
        %add3A_401 = vector.broadcast %add3A_389 : i32 to vector<16xi32>
        %add3A_402 = arith.addi %add3A_304, %add3A_401 : vector<16xi32>
        %swap3A_403 = arith.index_cast %add3A_396 : i32 to index
        %swap3A_404 = tpu.vector_load %arg10[%swap3A_403] {strides = array<i32>} : memref<8192xi32, #tpu.memory_space<vmem>>, vector<16xi32>,
        tpu.vector_store %arg10[%swap3A_403], %add3A_402 {strides = array<i32>} : memref<8192xi32, #tpu.memory_space<vmem>>, vector<16xi32>,
        %mul3A_405 = arith.constant 16000000 : i32
        %mul3A_406 = arith.muli %scan3A_310, %mul3A_405 : i32
        %add3A_407 = arith.constant 640 : i32
        %add3A_408 = arith.addi %mul3A_406, %add3A_407 : i32
        %mul3A_409 = arith.constant 1024 : i32
        %mul3A_410 = arith.muli %scan3A_272, %mul3A_409 : i32
        %mul3A_411 = arith.constant 128 : i32
        %mul3A_412 = arith.muli %scan3A_310, %mul3A_411 : i32
        %add3A_413 = arith.addi %mul3A_410, %mul3A_412 : i32
        %add3A_414 = arith.constant 80 : i32
        %add3A_415 = arith.addi %add3A_413, %add3A_414 : i32
        %add3A_416 = vector.broadcast %add3A_408 : i32 to vector<16xi32>
        %add3A_417 = arith.addi %add3A_294, %add3A_416 : vector<16xi32>
        %swap3A_418 = arith.index_cast %add3A_415 : i32 to index
        %swap3A_419 = tpu.vector_load %arg9[%swap3A_418] {strides = array<i32>} : memref<8192xi32, #tpu.memory_space<vmem>>, vector<16xi32>,
        tpu.vector_store %arg9[%swap3A_418], %add3A_417 {strides = array<i32>} : memref<8192xi32, #tpu.memory_space<vmem>>, vector<16xi32>,
        %add3A_420 = vector.broadcast %add3A_408 : i32 to vector<16xi32>
        %add3A_421 = arith.addi %add3A_304, %add3A_420 : vector<16xi32>
        %swap3A_422 = arith.index_cast %add3A_415 : i32 to index
        %swap3A_423 = tpu.vector_load %arg10[%swap3A_422] {strides = array<i32>} : memref<8192xi32, #tpu.memory_space<vmem>>, vector<16xi32>,
        tpu.vector_store %arg10[%swap3A_422], %add3A_421 {strides = array<i32>} : memref<8192xi32, #tpu.memory_space<vmem>>, vector<16xi32>,
        %mul3A_424 = arith.constant 16000000 : i32
        %mul3A_425 = arith.muli %scan3A_310, %mul3A_424 : i32
        %add3A_426 = arith.constant 768 : i32
        %add3A_427 = arith.addi %mul3A_425, %add3A_426 : i32
        %mul3A_428 = arith.constant 1024 : i32
        %mul3A_429 = arith.muli %scan3A_272, %mul3A_428 : i32
        %mul3A_430 = arith.constant 128 : i32
        %mul3A_431 = arith.muli %scan3A_310, %mul3A_430 : i32
        %add3A_432 = arith.addi %mul3A_429, %mul3A_431 : i32
        %add3A_433 = arith.constant 96 : i32
        %add3A_434 = arith.addi %add3A_432, %add3A_433 : i32
        %add3A_435 = vector.broadcast %add3A_427 : i32 to vector<16xi32>
        %add3A_436 = arith.addi %add3A_294, %add3A_435 : vector<16xi32>
        %swap3A_437 = arith.index_cast %add3A_434 : i32 to index
        %swap3A_438 = tpu.vector_load %arg9[%swap3A_437] {strides = array<i32>} : memref<8192xi32, #tpu.memory_space<vmem>>, vector<16xi32>,
        tpu.vector_store %arg9[%swap3A_437], %add3A_436 {strides = array<i32>} : memref<8192xi32, #tpu.memory_space<vmem>>, vector<16xi32>,
        %add3A_439 = vector.broadcast %add3A_427 : i32 to vector<16xi32>
        %add3A_440 = arith.addi %add3A_304, %add3A_439 : vector<16xi32>
        %swap3A_441 = arith.index_cast %add3A_434 : i32 to index
        %swap3A_442 = tpu.vector_load %arg10[%swap3A_441] {strides = array<i32>} : memref<8192xi32, #tpu.memory_space<vmem>>, vector<16xi32>,
        tpu.vector_store %arg10[%swap3A_441], %add3A_440 {strides = array<i32>} : memref<8192xi32, #tpu.memory_space<vmem>>, vector<16xi32>,
        %mul3A_443 = arith.constant 16000000 : i32
        %mul3A_444 = arith.muli %scan3A_310, %mul3A_443 : i32
        %add3A_445 = arith.constant 896 : i32
        %add3A_446 = arith.addi %mul3A_444, %add3A_445 : i32
        %mul3A_447 = arith.constant 1024 : i32
        %mul3A_448 = arith.muli %scan3A_272, %mul3A_447 : i32
        %mul3A_449 = arith.constant 128 : i32
        %mul3A_450 = arith.muli %scan3A_310, %mul3A_449 : i32
        %add3A_451 = arith.addi %mul3A_448, %mul3A_450 : i32
        %add3A_452 = arith.constant 112 : i32
        %add3A_453 = arith.addi %add3A_451, %add3A_452 : i32
        %add3A_454 = vector.broadcast %add3A_446 : i32 to vector<16xi32>
        %add3A_455 = arith.addi %add3A_294, %add3A_454 : vector<16xi32>
        %swap3A_456 = arith.index_cast %add3A_453 : i32 to index
        %swap3A_457 = tpu.vector_load %arg9[%swap3A_456] {strides = array<i32>} : memref<8192xi32, #tpu.memory_space<vmem>>, vector<16xi32>,
        tpu.vector_store %arg9[%swap3A_456], %add3A_455 {strides = array<i32>} : memref<8192xi32, #tpu.memory_space<vmem>>, vector<16xi32>,
        %add3A_458 = vector.broadcast %add3A_446 : i32 to vector<16xi32>
        %add3A_459 = arith.addi %add3A_304, %add3A_458 : vector<16xi32>
        %swap3A_460 = arith.index_cast %add3A_453 : i32 to index
        %swap3A_461 = tpu.vector_load %arg10[%swap3A_460] {strides = array<i32>} : memref<8192xi32, #tpu.memory_space<vmem>>, vector<16xi32>,
        tpu.vector_store %arg10[%swap3A_460], %add3A_459 {strides = array<i32>} : memref<8192xi32, #tpu.memory_space<vmem>>, vector<16xi32>,
      }
      %scan3A_309 = arith.constant 8 : i32
    }
    %scan3A_151 = arith.constant 8 : i32
    %dma_start3A_152 = arith.constant 0 : i32
    %dma_start3A_153 = tpu.memref_slice %arg15[%dma_start3A_152] : memref<8192xf32, #tpu.memory_space<vmem>> -> memref<8192xf32, #tpu.memory_space<vmem>>
    %dma_start3A_154 = arith.constant 0 : i32
    %dma_start3A_155 = tpu.memref_slice %arg9[%dma_start3A_154] : memref<8192xi32, #tpu.memory_space<vmem>> -> memref<8192xi32, #tpu.memory_space<vmem>>
    %dma_start3A_156 = arith.constant 0 : i32
    %dma_start3A_157 = tpu.memref_slice %arg3[%dma_start3A_156] : memref<128000000xf32, #tpu.memory_space<hbm>> -> memref<128000000xf32, #tpu.memory_space<hbm>>
    tpu.enqueue_indirect_dma source(%dma_start3A_157 : memref<128000000xf32, #tpu.memory_space<hbm>>) target(%dma_start3A_153 : memref<8192xf32, #tpu.memory_space<vmem>>) offsets(%dma_start3A_155 : memref<8192xi32, #tpu.memory_space<vmem>>) semaphore(%arg21 : memref<!tpu.dma_semaphore, #tpu.memory_space<semaphore_mem>>)
    %dma_start3A_158 = arith.constant 0 : i32
    %dma_start3A_159 = tpu.memref_slice %arg16[%dma_start3A_158] : memref<8192xf32, #tpu.memory_space<vmem>> -> memref<8192xf32, #tpu.memory_space<vmem>>
    %dma_start3A_160 = arith.constant 0 : i32
    %dma_start3A_161 = tpu.memref_slice %arg10[%dma_start3A_160] : memref<8192xi32, #tpu.memory_space<vmem>> -> memref<8192xi32, #tpu.memory_space<vmem>>
    %dma_start3A_162 = arith.constant 0 : i32
    %dma_start3A_163 = tpu.memref_slice %arg3[%dma_start3A_162] : memref<128000000xf32, #tpu.memory_space<hbm>> -> memref<128000000xf32, #tpu.memory_space<hbm>>
    tpu.enqueue_indirect_dma source(%dma_start3A_163 : memref<128000000xf32, #tpu.memory_space<hbm>>) target(%dma_start3A_159 : memref<8192xf32, #tpu.memory_space<vmem>>) offsets(%dma_start3A_161 : memref<8192xi32, #tpu.memory_space<vmem>>) semaphore(%arg21 : memref<!tpu.dma_semaphore, #tpu.memory_space<semaphore_mem>>)
    %scan3A_164 = arith.constant 0 : i32
    %scan3A_165 = arith.constant 0 : i32
    %scan3A_166 = arith.constant 8 : i32
    %scan3A_167 = arith.addi %scan3A_165, %scan3A_166 : i32
    %scan3A_168 = arith.constant 1 : i32
    scf.for %scan3A_272 = %scan3A_165 to %scan3A_167 step %scan3A_168  : i32 {
      %mul3A_273 = arith.constant 16 : i32
      %mul3A_274 = arith.muli %scan3A_272, %mul3A_273 : i32
      %add3A_275 = arith.constant 256 : i32
      %add3A_276 = arith.addi %add3A_275, %mul3A_274 : i32
      %get3A = arith.index_cast %add3A_276 : i32 to index
      %get3A_277 = tpu.vector_load %arg5[%get3A] {strides = array<i32>} : memref<512xi32, #tpu.memory_space<vmem>>, vector<16xi32>,
      %mul3A_278 = arith.constant 16 : i32
      %mul3A_279 = arith.muli %scan3A_272, %mul3A_278 : i32
      %add3A_280 = arith.constant 256 : i32
      %add3A_281 = arith.addi %add3A_280, %mul3A_279 : i32
      %get3A_282 = arith.index_cast %add3A_281 : i32 to index
      %get3A_283 = tpu.vector_load %arg6[%get3A_282] {strides = array<i32>} : memref<512xi32, #tpu.memory_space<vmem>>, vector<16xi32>,
      %add3A_284 = arith.constant 1000000 : i32
      %add3A_285 = vector.broadcast %add3A_284 : i32 to vector<16xi32>
      %add3A_286 = arith.addi %get3A_283, %add3A_285 : vector<16xi32>
      %shift_right_logical3A = arith.constant 7 : i32
      %shift_right_logical3A_287 = vector.broadcast %shift_right_logical3A : i32 to vector<16xi32>
      %shift_right_logical3A_288 = arith.shrui %get3A_277, %shift_right_logical3A_287 : vector<16xi32>
      %mul3A_289 = arith.constant 1024 : i32
      %mul3A_290 = vector.broadcast %mul3A_289 : i32 to vector<16xi32>
      %mul3A_291 = arith.muli %shift_right_logical3A_288, %mul3A_290 : vector<16xi32>
      %and3A = arith.constant 127 : i32
      %and3A_292 = vector.broadcast %and3A : i32 to vector<16xi32>
      %and3A_293 = arith.andi %get3A_277, %and3A_292 : vector<16xi32>
      %add3A_294 = arith.addi %mul3A_291, %and3A_293 : vector<16xi32>
      %shift_right_logical3A_295 = arith.constant 7 : i32
      %shift_right_logical3A_296 = vector.broadcast %shift_right_logical3A_295 : i32 to vector<16xi32>
      %shift_right_logical3A_297 = arith.shrui %add3A_286, %shift_right_logical3A_296 : vector<16xi32>
      %mul3A_298 = arith.constant 1024 : i32
      %mul3A_299 = vector.broadcast %mul3A_298 : i32 to vector<16xi32>
      %mul3A_300 = arith.muli %shift_right_logical3A_297, %mul3A_299 : vector<16xi32>
      %and3A_301 = arith.constant 127 : i32
      %and3A_302 = vector.broadcast %and3A_301 : i32 to vector<16xi32>
      %and3A_303 = arith.andi %add3A_286, %and3A_302 : vector<16xi32>
      %add3A_304 = arith.addi %mul3A_300, %and3A_303 : vector<16xi32>
      %scan3A_305 = arith.constant 0 : i32
      %scan3A_306 = arith.constant 8 : i32
      %scan3A_307 = arith.addi %scan3A_305, %scan3A_306 : i32
      %scan3A_308 = arith.constant 1 : i32
      scf.for %scan3A_310 = %scan3A_305 to %scan3A_307 step %scan3A_308  : i32 {
        %mul3A_311 = arith.constant 16000000 : i32
        %mul3A_312 = arith.muli %scan3A_310, %mul3A_311 : i32
        %add3A_313 = arith.constant 0 : i32
        %add3A_314 = arith.addi %mul3A_312, %add3A_313 : i32
        %mul3A_315 = arith.constant 1024 : i32
        %mul3A_316 = arith.muli %scan3A_272, %mul3A_315 : i32
        %mul3A_317 = arith.constant 128 : i32
        %mul3A_318 = arith.muli %scan3A_310, %mul3A_317 : i32
        %add3A_319 = arith.addi %mul3A_316, %mul3A_318 : i32
        %add3A_320 = arith.constant 0 : i32
        %add3A_321 = arith.addi %add3A_319, %add3A_320 : i32
        %add3A_322 = vector.broadcast %add3A_314 : i32 to vector<16xi32>
        %add3A_323 = arith.addi %add3A_294, %add3A_322 : vector<16xi32>
        %swap3A = arith.index_cast %add3A_321 : i32 to index
        %swap3A_324 = tpu.vector_load %arg11[%swap3A] {strides = array<i32>} : memref<8192xi32, #tpu.memory_space<vmem>>, vector<16xi32>,
        tpu.vector_store %arg11[%swap3A], %add3A_323 {strides = array<i32>} : memref<8192xi32, #tpu.memory_space<vmem>>, vector<16xi32>,
        %add3A_325 = vector.broadcast %add3A_314 : i32 to vector<16xi32>
        %add3A_326 = arith.addi %add3A_304, %add3A_325 : vector<16xi32>
        %swap3A_327 = arith.index_cast %add3A_321 : i32 to index
        %swap3A_328 = tpu.vector_load %arg12[%swap3A_327] {strides = array<i32>} : memref<8192xi32, #tpu.memory_space<vmem>>, vector<16xi32>,
        tpu.vector_store %arg12[%swap3A_327], %add3A_326 {strides = array<i32>} : memref<8192xi32, #tpu.memory_space<vmem>>, vector<16xi32>,
        %mul3A_329 = arith.constant 16000000 : i32
        %mul3A_330 = arith.muli %scan3A_310, %mul3A_329 : i32
        %add3A_331 = arith.constant 128 : i32
        %add3A_332 = arith.addi %mul3A_330, %add3A_331 : i32
        %mul3A_333 = arith.constant 1024 : i32
        %mul3A_334 = arith.muli %scan3A_272, %mul3A_333 : i32
        %mul3A_335 = arith.constant 128 : i32
        %mul3A_336 = arith.muli %scan3A_310, %mul3A_335 : i32
        %add3A_337 = arith.addi %mul3A_334, %mul3A_336 : i32
        %add3A_338 = arith.constant 16 : i32
        %add3A_339 = arith.addi %add3A_337, %add3A_338 : i32
        %add3A_340 = vector.broadcast %add3A_332 : i32 to vector<16xi32>
        %add3A_341 = arith.addi %add3A_294, %add3A_340 : vector<16xi32>
        %swap3A_342 = arith.index_cast %add3A_339 : i32 to index
        %swap3A_343 = tpu.vector_load %arg11[%swap3A_342] {strides = array<i32>} : memref<8192xi32, #tpu.memory_space<vmem>>, vector<16xi32>,
        tpu.vector_store %arg11[%swap3A_342], %add3A_341 {strides = array<i32>} : memref<8192xi32, #tpu.memory_space<vmem>>, vector<16xi32>,
        %add3A_344 = vector.broadcast %add3A_332 : i32 to vector<16xi32>
        %add3A_345 = arith.addi %add3A_304, %add3A_344 : vector<16xi32>
        %swap3A_346 = arith.index_cast %add3A_339 : i32 to index
        %swap3A_347 = tpu.vector_load %arg12[%swap3A_346] {strides = array<i32>} : memref<8192xi32, #tpu.memory_space<vmem>>, vector<16xi32>,
        tpu.vector_store %arg12[%swap3A_346], %add3A_345 {strides = array<i32>} : memref<8192xi32, #tpu.memory_space<vmem>>, vector<16xi32>,
        %mul3A_348 = arith.constant 16000000 : i32
        %mul3A_349 = arith.muli %scan3A_310, %mul3A_348 : i32
        %add3A_350 = arith.constant 256 : i32
        %add3A_351 = arith.addi %mul3A_349, %add3A_350 : i32
        %mul3A_352 = arith.constant 1024 : i32
        %mul3A_353 = arith.muli %scan3A_272, %mul3A_352 : i32
        %mul3A_354 = arith.constant 128 : i32
        %mul3A_355 = arith.muli %scan3A_310, %mul3A_354 : i32
        %add3A_356 = arith.addi %mul3A_353, %mul3A_355 : i32
        %add3A_357 = arith.constant 32 : i32
        %add3A_358 = arith.addi %add3A_356, %add3A_357 : i32
        %add3A_359 = vector.broadcast %add3A_351 : i32 to vector<16xi32>
        %add3A_360 = arith.addi %add3A_294, %add3A_359 : vector<16xi32>
        %swap3A_361 = arith.index_cast %add3A_358 : i32 to index
        %swap3A_362 = tpu.vector_load %arg11[%swap3A_361] {strides = array<i32>} : memref<8192xi32, #tpu.memory_space<vmem>>, vector<16xi32>,
        tpu.vector_store %arg11[%swap3A_361], %add3A_360 {strides = array<i32>} : memref<8192xi32, #tpu.memory_space<vmem>>, vector<16xi32>,
        %add3A_363 = vector.broadcast %add3A_351 : i32 to vector<16xi32>
        %add3A_364 = arith.addi %add3A_304, %add3A_363 : vector<16xi32>
        %swap3A_365 = arith.index_cast %add3A_358 : i32 to index
        %swap3A_366 = tpu.vector_load %arg12[%swap3A_365] {strides = array<i32>} : memref<8192xi32, #tpu.memory_space<vmem>>, vector<16xi32>,
        tpu.vector_store %arg12[%swap3A_365], %add3A_364 {strides = array<i32>} : memref<8192xi32, #tpu.memory_space<vmem>>, vector<16xi32>,
        %mul3A_367 = arith.constant 16000000 : i32
        %mul3A_368 = arith.muli %scan3A_310, %mul3A_367 : i32
        %add3A_369 = arith.constant 384 : i32
        %add3A_370 = arith.addi %mul3A_368, %add3A_369 : i32
        %mul3A_371 = arith.constant 1024 : i32
        %mul3A_372 = arith.muli %scan3A_272, %mul3A_371 : i32
        %mul3A_373 = arith.constant 128 : i32
        %mul3A_374 = arith.muli %scan3A_310, %mul3A_373 : i32
        %add3A_375 = arith.addi %mul3A_372, %mul3A_374 : i32
        %add3A_376 = arith.constant 48 : i32
        %add3A_377 = arith.addi %add3A_375, %add3A_376 : i32
        %add3A_378 = vector.broadcast %add3A_370 : i32 to vector<16xi32>
        %add3A_379 = arith.addi %add3A_294, %add3A_378 : vector<16xi32>
        %swap3A_380 = arith.index_cast %add3A_377 : i32 to index
        %swap3A_381 = tpu.vector_load %arg11[%swap3A_380] {strides = array<i32>} : memref<8192xi32, #tpu.memory_space<vmem>>, vector<16xi32>,
        tpu.vector_store %arg11[%swap3A_380], %add3A_379 {strides = array<i32>} : memref<8192xi32, #tpu.memory_space<vmem>>, vector<16xi32>,
        %add3A_382 = vector.broadcast %add3A_370 : i32 to vector<16xi32>
        %add3A_383 = arith.addi %add3A_304, %add3A_382 : vector<16xi32>
        %swap3A_384 = arith.index_cast %add3A_377 : i32 to index
        %swap3A_385 = tpu.vector_load %arg12[%swap3A_384] {strides = array<i32>} : memref<8192xi32, #tpu.memory_space<vmem>>, vector<16xi32>,
        tpu.vector_store %arg12[%swap3A_384], %add3A_383 {strides = array<i32>} : memref<8192xi32, #tpu.memory_space<vmem>>, vector<16xi32>,
        %mul3A_386 = arith.constant 16000000 : i32
        %mul3A_387 = arith.muli %scan3A_310, %mul3A_386 : i32
        %add3A_388 = arith.constant 512 : i32
        %add3A_389 = arith.addi %mul3A_387, %add3A_388 : i32
        %mul3A_390 = arith.constant 1024 : i32
        %mul3A_391 = arith.muli %scan3A_272, %mul3A_390 : i32
        %mul3A_392 = arith.constant 128 : i32
        %mul3A_393 = arith.muli %scan3A_310, %mul3A_392 : i32
        %add3A_394 = arith.addi %mul3A_391, %mul3A_393 : i32
        %add3A_395 = arith.constant 64 : i32
        %add3A_396 = arith.addi %add3A_394, %add3A_395 : i32
        %add3A_397 = vector.broadcast %add3A_389 : i32 to vector<16xi32>
        %add3A_398 = arith.addi %add3A_294, %add3A_397 : vector<16xi32>
        %swap3A_399 = arith.index_cast %add3A_396 : i32 to index
        %swap3A_400 = tpu.vector_load %arg11[%swap3A_399] {strides = array<i32>} : memref<8192xi32, #tpu.memory_space<vmem>>, vector<16xi32>,
        tpu.vector_store %arg11[%swap3A_399], %add3A_398 {strides = array<i32>} : memref<8192xi32, #tpu.memory_space<vmem>>, vector<16xi32>,
        %add3A_401 = vector.broadcast %add3A_389 : i32 to vector<16xi32>
        %add3A_402 = arith.addi %add3A_304, %add3A_401 : vector<16xi32>
        %swap3A_403 = arith.index_cast %add3A_396 : i32 to index
        %swap3A_404 = tpu.vector_load %arg12[%swap3A_403] {strides = array<i32>} : memref<8192xi32, #tpu.memory_space<vmem>>, vector<16xi32>,
        tpu.vector_store %arg12[%swap3A_403], %add3A_402 {strides = array<i32>} : memref<8192xi32, #tpu.memory_space<vmem>>, vector<16xi32>,
        %mul3A_405 = arith.constant 16000000 : i32
        %mul3A_406 = arith.muli %scan3A_310, %mul3A_405 : i32
        %add3A_407 = arith.constant 640 : i32
        %add3A_408 = arith.addi %mul3A_406, %add3A_407 : i32
        %mul3A_409 = arith.constant 1024 : i32
        %mul3A_410 = arith.muli %scan3A_272, %mul3A_409 : i32
        %mul3A_411 = arith.constant 128 : i32
        %mul3A_412 = arith.muli %scan3A_310, %mul3A_411 : i32
        %add3A_413 = arith.addi %mul3A_410, %mul3A_412 : i32
        %add3A_414 = arith.constant 80 : i32
        %add3A_415 = arith.addi %add3A_413, %add3A_414 : i32
        %add3A_416 = vector.broadcast %add3A_408 : i32 to vector<16xi32>
        %add3A_417 = arith.addi %add3A_294, %add3A_416 : vector<16xi32>
        %swap3A_418 = arith.index_cast %add3A_415 : i32 to index
        %swap3A_419 = tpu.vector_load %arg11[%swap3A_418] {strides = array<i32>} : memref<8192xi32, #tpu.memory_space<vmem>>, vector<16xi32>,
        tpu.vector_store %arg11[%swap3A_418], %add3A_417 {strides = array<i32>} : memref<8192xi32, #tpu.memory_space<vmem>>, vector<16xi32>,
        %add3A_420 = vector.broadcast %add3A_408 : i32 to vector<16xi32>
        %add3A_421 = arith.addi %add3A_304, %add3A_420 : vector<16xi32>
        %swap3A_422 = arith.index_cast %add3A_415 : i32 to index
        %swap3A_423 = tpu.vector_load %arg12[%swap3A_422] {strides = array<i32>} : memref<8192xi32, #tpu.memory_space<vmem>>, vector<16xi32>,
        tpu.vector_store %arg12[%swap3A_422], %add3A_421 {strides = array<i32>} : memref<8192xi32, #tpu.memory_space<vmem>>, vector<16xi32>,
        %mul3A_424 = arith.constant 16000000 : i32
        %mul3A_425 = arith.muli %scan3A_310, %mul3A_424 : i32
        %add3A_426 = arith.constant 768 : i32
        %add3A_427 = arith.addi %mul3A_425, %add3A_426 : i32
        %mul3A_428 = arith.constant 1024 : i32
        %mul3A_429 = arith.muli %scan3A_272, %mul3A_428 : i32
        %mul3A_430 = arith.constant 128 : i32
        %mul3A_431 = arith.muli %scan3A_310, %mul3A_430 : i32
        %add3A_432 = arith.addi %mul3A_429, %mul3A_431 : i32
        %add3A_433 = arith.constant 96 : i32
        %add3A_434 = arith.addi %add3A_432, %add3A_433 : i32
        %add3A_435 = vector.broadcast %add3A_427 : i32 to vector<16xi32>
        %add3A_436 = arith.addi %add3A_294, %add3A_435 : vector<16xi32>
        %swap3A_437 = arith.index_cast %add3A_434 : i32 to index
        %swap3A_438 = tpu.vector_load %arg11[%swap3A_437] {strides = array<i32>} : memref<8192xi32, #tpu.memory_space<vmem>>, vector<16xi32>,
        tpu.vector_store %arg11[%swap3A_437], %add3A_436 {strides = array<i32>} : memref<8192xi32, #tpu.memory_space<vmem>>, vector<16xi32>,
        %add3A_439 = vector.broadcast %add3A_427 : i32 to vector<16xi32>
        %add3A_440 = arith.addi %add3A_304, %add3A_439 : vector<16xi32>
        %swap3A_441 = arith.index_cast %add3A_434 : i32 to index
        %swap3A_442 = tpu.vector_load %arg12[%swap3A_441] {strides = array<i32>} : memref<8192xi32, #tpu.memory_space<vmem>>, vector<16xi32>,
        tpu.vector_store %arg12[%swap3A_441], %add3A_440 {strides = array<i32>} : memref<8192xi32, #tpu.memory_space<vmem>>, vector<16xi32>,
        %mul3A_443 = arith.constant 16000000 : i32
        %mul3A_444 = arith.muli %scan3A_310, %mul3A_443 : i32
        %add3A_445 = arith.constant 896 : i32
        %add3A_446 = arith.addi %mul3A_444, %add3A_445 : i32
        %mul3A_447 = arith.constant 1024 : i32
        %mul3A_448 = arith.muli %scan3A_272, %mul3A_447 : i32
        %mul3A_449 = arith.constant 128 : i32
        %mul3A_450 = arith.muli %scan3A_310, %mul3A_449 : i32
        %add3A_451 = arith.addi %mul3A_448, %mul3A_450 : i32
        %add3A_452 = arith.constant 112 : i32
        %add3A_453 = arith.addi %add3A_451, %add3A_452 : i32
        %add3A_454 = vector.broadcast %add3A_446 : i32 to vector<16xi32>
        %add3A_455 = arith.addi %add3A_294, %add3A_454 : vector<16xi32>
        %swap3A_456 = arith.index_cast %add3A_453 : i32 to index
        %swap3A_457 = tpu.vector_load %arg11[%swap3A_456] {strides = array<i32>} : memref<8192xi32, #tpu.memory_space<vmem>>, vector<16xi32>,
        tpu.vector_store %arg11[%swap3A_456], %add3A_455 {strides = array<i32>} : memref<8192xi32, #tpu.memory_space<vmem>>, vector<16xi32>,
        %add3A_458 = vector.broadcast %add3A_446 : i32 to vector<16xi32>
        %add3A_459 = arith.addi %add3A_304, %add3A_458 : vector<16xi32>
        %swap3A_460 = arith.index_cast %add3A_453 : i32 to index
        %swap3A_461 = tpu.vector_load %arg12[%swap3A_460] {strides = array<i32>} : memref<8192xi32, #tpu.memory_space<vmem>>, vector<16xi32>,
        tpu.vector_store %arg12[%swap3A_460], %add3A_459 {strides = array<i32>} : memref<8192xi32, #tpu.memory_space<vmem>>, vector<16xi32>,
      }
      %scan3A_309 = arith.constant 8 : i32
    }
    %scan3A_169 = arith.constant 8 : i32
    %dma_start3A_170 = arith.constant 0 : i32
    %dma_start3A_171 = tpu.memref_slice %arg17[%dma_start3A_170] : memref<8192xf32, #tpu.memory_space<vmem>> -> memref<8192xf32, #tpu.memory_space<vmem>>
    %dma_start3A_172 = arith.constant 0 : i32
    %dma_start3A_173 = tpu.memref_slice %arg11[%dma_start3A_172] : memref<8192xi32, #tpu.memory_space<vmem>> -> memref<8192xi32, #tpu.memory_space<vmem>>
    %dma_start3A_174 = arith.constant 0 : i32
    %dma_start3A_175 = tpu.memref_slice %arg3[%dma_start3A_174] : memref<128000000xf32, #tpu.memory_space<hbm>> -> memref<128000000xf32, #tpu.memory_space<hbm>>
    tpu.enqueue_indirect_dma source(%dma_start3A_175 : memref<128000000xf32, #tpu.memory_space<hbm>>) target(%dma_start3A_171 : memref<8192xf32, #tpu.memory_space<vmem>>) offsets(%dma_start3A_173 : memref<8192xi32, #tpu.memory_space<vmem>>) semaphore(%arg22 : memref<!tpu.dma_semaphore, #tpu.memory_space<semaphore_mem>>)
    %dma_start3A_176 = arith.constant 0 : i32
    %dma_start3A_177 = tpu.memref_slice %arg18[%dma_start3A_176] : memref<8192xf32, #tpu.memory_space<vmem>> -> memref<8192xf32, #tpu.memory_space<vmem>>
    %dma_start3A_178 = arith.constant 0 : i32
    %dma_start3A_179 = tpu.memref_slice %arg12[%dma_start3A_178] : memref<8192xi32, #tpu.memory_space<vmem>> -> memref<8192xi32, #tpu.memory_space<vmem>>
    %dma_start3A_180 = arith.constant 0 : i32
    %dma_start3A_181 = tpu.memref_slice %arg3[%dma_start3A_180] : memref<128000000xf32, #tpu.memory_space<hbm>> -> memref<128000000xf32, #tpu.memory_space<hbm>>
    tpu.enqueue_indirect_dma source(%dma_start3A_181 : memref<128000000xf32, #tpu.memory_space<hbm>>) target(%dma_start3A_177 : memref<8192xf32, #tpu.memory_space<vmem>>) offsets(%dma_start3A_179 : memref<8192xi32, #tpu.memory_space<vmem>>) semaphore(%arg22 : memref<!tpu.dma_semaphore, #tpu.memory_space<semaphore_mem>>)
    %dma_wait3A_182 = arith.constant 0 : i32
    %dma_wait3A_183 = tpu.memref_slice %arg13[%dma_wait3A_182] : memref<8192xf32, #tpu.memory_space<vmem>> -> memref<8192xf32, #tpu.memory_space<vmem>>
    %dma_wait3A_184 = arith.constant 0 : i32
    %dma_wait3A_185 = tpu.memref_slice %arg7[%dma_wait3A_184] : memref<8192xi32, #tpu.memory_space<vmem>> -> memref<8192xi32, #tpu.memory_space<vmem>>
    %dma_wait3A_186 = arith.constant 0 : i32
    %dma_wait3A_187 = tpu.memref_slice %arg3[%dma_wait3A_186] : memref<128000000xf32, #tpu.memory_space<hbm>> -> memref<128000000xf32, #tpu.memory_space<hbm>>
    tpu.wait_indirect_dma semaphore(%arg20 : memref<!tpu.dma_semaphore, #tpu.memory_space<semaphore_mem>>) src(%dma_wait3A_187 : memref<128000000xf32, #tpu.memory_space<hbm>>) dst(%dma_wait3A_183 : memref<8192xf32, #tpu.memory_space<vmem>>)
    %dma_wait3A_188 = arith.constant 0 : i32
    %dma_wait3A_189 = tpu.memref_slice %arg14[%dma_wait3A_188] : memref<8192xf32, #tpu.memory_space<vmem>> -> memref<8192xf32, #tpu.memory_space<vmem>>
    %dma_wait3A_190 = arith.constant 0 : i32
    %dma_wait3A_191 = tpu.memref_slice %arg8[%dma_wait3A_190] : memref<8192xi32, #tpu.memory_space<vmem>> -> memref<8192xi32, #tpu.memory_space<vmem>>
    %dma_wait3A_192 = arith.constant 0 : i32
    %dma_wait3A_193 = tpu.memref_slice %arg3[%dma_wait3A_192] : memref<128000000xf32, #tpu.memory_space<hbm>> -> memref<128000000xf32, #tpu.memory_space<hbm>>
    tpu.wait_indirect_dma semaphore(%arg20 : memref<!tpu.dma_semaphore, #tpu.memory_space<semaphore_mem>>) src(%dma_wait3A_193 : memref<128000000xf32, #tpu.memory_space<hbm>>) dst(%dma_wait3A_189 : memref<8192xf32, #tpu.memory_space<vmem>>)
    %scan3A_194 = arith.constant 0 : i32
    %scan3A_195 = arith.constant 0 : i32
    %scan3A_196 = arith.constant 8 : i32
    %scan3A_197 = arith.addi %scan3A_195, %scan3A_196 : i32
    %scan3A_198 = arith.constant 1 : i32
    scf.for %scan3A_272 = %scan3A_195 to %scan3A_197 step %scan3A_198  : i32 {
      %broadcast_in_dim3A = arith.constant 0.000000e+00 : f32
      %broadcast_in_dim3A_273 = vector.broadcast %broadcast_in_dim3A : f32 to vector<16xf32>
      %scan3A_274 = arith.constant 0 : i32
      %scan3A_275 = arith.constant 16 : i32
      %scan3A_276 = arith.addi %scan3A_274, %scan3A_275 : i32
      %scan3A_277 = arith.constant 1 : i32
      %scan3A_278 = scf.for %scan3A_285 = %scan3A_274 to %scan3A_276 step %scan3A_277 iter_args(%scan3A_286 = %broadcast_in_dim3A_273) -> (vector<16xf32>)  : i32 {
        %mul3A_287 = arith.constant 1024 : i32
        %mul3A_288 = arith.muli %scan3A_272, %mul3A_287 : i32
        %mul3A_289 = arith.constant 64 : i32
        %mul3A_290 = arith.muli %scan3A_285, %mul3A_289 : i32
        %add3A_291 = arith.addi %mul3A_288, %mul3A_290 : i32
        %get3A = arith.index_cast %add3A_291 : i32 to index
        %get3A_292 = tpu.vector_load %arg13[%get3A] {strides = array<i32>} : memref<8192xf32, #tpu.memory_space<vmem>>, vector<16xf32>,
        %get3A_293 = arith.index_cast %add3A_291 : i32 to index
        %get3A_294 = tpu.vector_load %arg14[%get3A_293] {strides = array<i32>} : memref<8192xf32, #tpu.memory_space<vmem>>, vector<16xf32>,
        %mul3A_295 = arith.mulf %get3A_292, %get3A_294 : vector<16xf32>
        %add3A_296 = arith.addf %scan3A_286, %mul3A_295 : vector<16xf32>
        %add3A_297 = arith.constant 16 : i32
        %add3A_298 = arith.addi %add3A_291, %add3A_297 : i32
        %get3A_299 = arith.index_cast %add3A_298 : i32 to index
        %get3A_300 = tpu.vector_load %arg13[%get3A_299] {strides = array<i32>} : memref<8192xf32, #tpu.memory_space<vmem>>, vector<16xf32>,
        %add3A_301 = arith.constant 16 : i32
        %add3A_302 = arith.addi %add3A_291, %add3A_301 : i32
        %get3A_303 = arith.index_cast %add3A_302 : i32 to index
        %get3A_304 = tpu.vector_load %arg14[%get3A_303] {strides = array<i32>} : memref<8192xf32, #tpu.memory_space<vmem>>, vector<16xf32>,
        %mul3A_305 = arith.mulf %get3A_300, %get3A_304 : vector<16xf32>
        %add3A_306 = arith.addf %add3A_296, %mul3A_305 : vector<16xf32>
        %add3A_307 = arith.constant 32 : i32
        %add3A_308 = arith.addi %add3A_291, %add3A_307 : i32
        %get3A_309 = arith.index_cast %add3A_308 : i32 to index
        %get3A_310 = tpu.vector_load %arg13[%get3A_309] {strides = array<i32>} : memref<8192xf32, #tpu.memory_space<vmem>>, vector<16xf32>,
        %add3A_311 = arith.constant 32 : i32
        %add3A_312 = arith.addi %add3A_291, %add3A_311 : i32
        %get3A_313 = arith.index_cast %add3A_312 : i32 to index
        %get3A_314 = tpu.vector_load %arg14[%get3A_313] {strides = array<i32>} : memref<8192xf32, #tpu.memory_space<vmem>>, vector<16xf32>,
        %mul3A_315 = arith.mulf %get3A_310, %get3A_314 : vector<16xf32>
        %add3A_316 = arith.addf %add3A_306, %mul3A_315 : vector<16xf32>
        %add3A_317 = arith.constant 48 : i32
        %add3A_318 = arith.addi %add3A_291, %add3A_317 : i32
        %get3A_319 = arith.index_cast %add3A_318 : i32 to index
        %get3A_320 = tpu.vector_load %arg13[%get3A_319] {strides = array<i32>} : memref<8192xf32, #tpu.memory_space<vmem>>, vector<16xf32>,
        %add3A_321 = arith.constant 48 : i32
        %add3A_322 = arith.addi %add3A_291, %add3A_321 : i32
        %get3A_323 = arith.index_cast %add3A_322 : i32 to index
        %get3A_324 = tpu.vector_load %arg14[%get3A_323] {strides = array<i32>} : memref<8192xf32, #tpu.memory_space<vmem>>, vector<16xf32>,
        %mul3A_325 = arith.mulf %get3A_320, %get3A_324 : vector<16xf32>
        %add3A_326 = arith.addf %add3A_316, %mul3A_325 : vector<16xf32>
        scf.yield %add3A_326 : vector<16xf32>
      }
      %scan3A_279 = arith.constant 16 : i32
      %mul3A_280 = arith.constant 16 : i32
      %mul3A_281 = arith.muli %scan3A_272, %mul3A_280 : i32
      %add3A_282 = arith.constant 0 : i32
      %add3A_283 = arith.addi %add3A_282, %mul3A_281 : i32
      %swap3A = arith.index_cast %add3A_283 : i32 to index
      %swap3A_284 = tpu.vector_load %arg19[%swap3A] {strides = array<i32>} : memref<512xf32, #tpu.memory_space<vmem>>, vector<16xf32>,
      tpu.vector_store %arg19[%swap3A], %scan3A_278 {strides = array<i32>} : memref<512xf32, #tpu.memory_space<vmem>>, vector<16xf32>,
    }
    %scan3A_199 = arith.constant 8 : i32
    %scan3A_200 = arith.constant 0 : i32
    %scan3A_201 = arith.constant 0 : i32
    %scan3A_202 = arith.constant 8 : i32
    %scan3A_203 = arith.addi %scan3A_201, %scan3A_202 : i32
    %scan3A_204 = arith.constant 1 : i32
    scf.for %scan3A_272 = %scan3A_201 to %scan3A_203 step %scan3A_204  : i32 {
      %mul3A_273 = arith.constant 16 : i32
      %mul3A_274 = arith.muli %scan3A_272, %mul3A_273 : i32
      %add3A_275 = arith.constant 384 : i32
      %add3A_276 = arith.addi %add3A_275, %mul3A_274 : i32
      %get3A = arith.index_cast %add3A_276 : i32 to index
      %get3A_277 = tpu.vector_load %arg5[%get3A] {strides = array<i32>} : memref<512xi32, #tpu.memory_space<vmem>>, vector<16xi32>,
      %mul3A_278 = arith.constant 16 : i32
      %mul3A_279 = arith.muli %scan3A_272, %mul3A_278 : i32
      %add3A_280 = arith.constant 384 : i32
      %add3A_281 = arith.addi %add3A_280, %mul3A_279 : i32
      %get3A_282 = arith.index_cast %add3A_281 : i32 to index
      %get3A_283 = tpu.vector_load %arg6[%get3A_282] {strides = array<i32>} : memref<512xi32, #tpu.memory_space<vmem>>, vector<16xi32>,
      %add3A_284 = arith.constant 1000000 : i32
      %add3A_285 = vector.broadcast %add3A_284 : i32 to vector<16xi32>
      %add3A_286 = arith.addi %get3A_283, %add3A_285 : vector<16xi32>
      %shift_right_logical3A = arith.constant 7 : i32
      %shift_right_logical3A_287 = vector.broadcast %shift_right_logical3A : i32 to vector<16xi32>
      %shift_right_logical3A_288 = arith.shrui %get3A_277, %shift_right_logical3A_287 : vector<16xi32>
      %mul3A_289 = arith.constant 1024 : i32
      %mul3A_290 = vector.broadcast %mul3A_289 : i32 to vector<16xi32>
      %mul3A_291 = arith.muli %shift_right_logical3A_288, %mul3A_290 : vector<16xi32>
      %and3A = arith.constant 127 : i32
      %and3A_292 = vector.broadcast %and3A : i32 to vector<16xi32>
      %and3A_293 = arith.andi %get3A_277, %and3A_292 : vector<16xi32>
      %add3A_294 = arith.addi %mul3A_291, %and3A_293 : vector<16xi32>
      %shift_right_logical3A_295 = arith.constant 7 : i32
      %shift_right_logical3A_296 = vector.broadcast %shift_right_logical3A_295 : i32 to vector<16xi32>
      %shift_right_logical3A_297 = arith.shrui %add3A_286, %shift_right_logical3A_296 : vector<16xi32>
      %mul3A_298 = arith.constant 1024 : i32
      %mul3A_299 = vector.broadcast %mul3A_298 : i32 to vector<16xi32>
      %mul3A_300 = arith.muli %shift_right_logical3A_297, %mul3A_299 : vector<16xi32>
      %and3A_301 = arith.constant 127 : i32
      %and3A_302 = vector.broadcast %and3A_301 : i32 to vector<16xi32>
      %and3A_303 = arith.andi %add3A_286, %and3A_302 : vector<16xi32>
      %add3A_304 = arith.addi %mul3A_300, %and3A_303 : vector<16xi32>
      %scan3A_305 = arith.constant 0 : i32
      %scan3A_306 = arith.constant 8 : i32
      %scan3A_307 = arith.addi %scan3A_305, %scan3A_306 : i32
      %scan3A_308 = arith.constant 1 : i32
      scf.for %scan3A_310 = %scan3A_305 to %scan3A_307 step %scan3A_308  : i32 {
        %mul3A_311 = arith.constant 16000000 : i32
        %mul3A_312 = arith.muli %scan3A_310, %mul3A_311 : i32
        %add3A_313 = arith.constant 0 : i32
        %add3A_314 = arith.addi %mul3A_312, %add3A_313 : i32
        %mul3A_315 = arith.constant 1024 : i32
        %mul3A_316 = arith.muli %scan3A_272, %mul3A_315 : i32
        %mul3A_317 = arith.constant 128 : i32
        %mul3A_318 = arith.muli %scan3A_310, %mul3A_317 : i32
        %add3A_319 = arith.addi %mul3A_316, %mul3A_318 : i32
        %add3A_320 = arith.constant 0 : i32
        %add3A_321 = arith.addi %add3A_319, %add3A_320 : i32
        %add3A_322 = vector.broadcast %add3A_314 : i32 to vector<16xi32>
        %add3A_323 = arith.addi %add3A_294, %add3A_322 : vector<16xi32>
        %swap3A = arith.index_cast %add3A_321 : i32 to index
        %swap3A_324 = tpu.vector_load %arg7[%swap3A] {strides = array<i32>} : memref<8192xi32, #tpu.memory_space<vmem>>, vector<16xi32>,
        tpu.vector_store %arg7[%swap3A], %add3A_323 {strides = array<i32>} : memref<8192xi32, #tpu.memory_space<vmem>>, vector<16xi32>,
        %add3A_325 = vector.broadcast %add3A_314 : i32 to vector<16xi32>
        %add3A_326 = arith.addi %add3A_304, %add3A_325 : vector<16xi32>
        %swap3A_327 = arith.index_cast %add3A_321 : i32 to index
        %swap3A_328 = tpu.vector_load %arg8[%swap3A_327] {strides = array<i32>} : memref<8192xi32, #tpu.memory_space<vmem>>, vector<16xi32>,
        tpu.vector_store %arg8[%swap3A_327], %add3A_326 {strides = array<i32>} : memref<8192xi32, #tpu.memory_space<vmem>>, vector<16xi32>,
        %mul3A_329 = arith.constant 16000000 : i32
        %mul3A_330 = arith.muli %scan3A_310, %mul3A_329 : i32
        %add3A_331 = arith.constant 128 : i32
        %add3A_332 = arith.addi %mul3A_330, %add3A_331 : i32
        %mul3A_333 = arith.constant 1024 : i32
        %mul3A_334 = arith.muli %scan3A_272, %mul3A_333 : i32
        %mul3A_335 = arith.constant 128 : i32
        %mul3A_336 = arith.muli %scan3A_310, %mul3A_335 : i32
        %add3A_337 = arith.addi %mul3A_334, %mul3A_336 : i32
        %add3A_338 = arith.constant 16 : i32
        %add3A_339 = arith.addi %add3A_337, %add3A_338 : i32
        %add3A_340 = vector.broadcast %add3A_332 : i32 to vector<16xi32>
        %add3A_341 = arith.addi %add3A_294, %add3A_340 : vector<16xi32>
        %swap3A_342 = arith.index_cast %add3A_339 : i32 to index
        %swap3A_343 = tpu.vector_load %arg7[%swap3A_342] {strides = array<i32>} : memref<8192xi32, #tpu.memory_space<vmem>>, vector<16xi32>,
        tpu.vector_store %arg7[%swap3A_342], %add3A_341 {strides = array<i32>} : memref<8192xi32, #tpu.memory_space<vmem>>, vector<16xi32>,
        %add3A_344 = vector.broadcast %add3A_332 : i32 to vector<16xi32>
        %add3A_345 = arith.addi %add3A_304, %add3A_344 : vector<16xi32>
        %swap3A_346 = arith.index_cast %add3A_339 : i32 to index
        %swap3A_347 = tpu.vector_load %arg8[%swap3A_346] {strides = array<i32>} : memref<8192xi32, #tpu.memory_space<vmem>>, vector<16xi32>,
        tpu.vector_store %arg8[%swap3A_346], %add3A_345 {strides = array<i32>} : memref<8192xi32, #tpu.memory_space<vmem>>, vector<16xi32>,
        %mul3A_348 = arith.constant 16000000 : i32
        %mul3A_349 = arith.muli %scan3A_310, %mul3A_348 : i32
        %add3A_350 = arith.constant 256 : i32
        %add3A_351 = arith.addi %mul3A_349, %add3A_350 : i32
        %mul3A_352 = arith.constant 1024 : i32
        %mul3A_353 = arith.muli %scan3A_272, %mul3A_352 : i32
        %mul3A_354 = arith.constant 128 : i32
        %mul3A_355 = arith.muli %scan3A_310, %mul3A_354 : i32
        %add3A_356 = arith.addi %mul3A_353, %mul3A_355 : i32
        %add3A_357 = arith.constant 32 : i32
        %add3A_358 = arith.addi %add3A_356, %add3A_357 : i32
        %add3A_359 = vector.broadcast %add3A_351 : i32 to vector<16xi32>
        %add3A_360 = arith.addi %add3A_294, %add3A_359 : vector<16xi32>
        %swap3A_361 = arith.index_cast %add3A_358 : i32 to index
        %swap3A_362 = tpu.vector_load %arg7[%swap3A_361] {strides = array<i32>} : memref<8192xi32, #tpu.memory_space<vmem>>, vector<16xi32>,
        tpu.vector_store %arg7[%swap3A_361], %add3A_360 {strides = array<i32>} : memref<8192xi32, #tpu.memory_space<vmem>>, vector<16xi32>,
        %add3A_363 = vector.broadcast %add3A_351 : i32 to vector<16xi32>
        %add3A_364 = arith.addi %add3A_304, %add3A_363 : vector<16xi32>
        %swap3A_365 = arith.index_cast %add3A_358 : i32 to index
        %swap3A_366 = tpu.vector_load %arg8[%swap3A_365] {strides = array<i32>} : memref<8192xi32, #tpu.memory_space<vmem>>, vector<16xi32>,
        tpu.vector_store %arg8[%swap3A_365], %add3A_364 {strides = array<i32>} : memref<8192xi32, #tpu.memory_space<vmem>>, vector<16xi32>,
        %mul3A_367 = arith.constant 16000000 : i32
        %mul3A_368 = arith.muli %scan3A_310, %mul3A_367 : i32
        %add3A_369 = arith.constant 384 : i32
        %add3A_370 = arith.addi %mul3A_368, %add3A_369 : i32
        %mul3A_371 = arith.constant 1024 : i32
        %mul3A_372 = arith.muli %scan3A_272, %mul3A_371 : i32
        %mul3A_373 = arith.constant 128 : i32
        %mul3A_374 = arith.muli %scan3A_310, %mul3A_373 : i32
        %add3A_375 = arith.addi %mul3A_372, %mul3A_374 : i32
        %add3A_376 = arith.constant 48 : i32
        %add3A_377 = arith.addi %add3A_375, %add3A_376 : i32
        %add3A_378 = vector.broadcast %add3A_370 : i32 to vector<16xi32>
        %add3A_379 = arith.addi %add3A_294, %add3A_378 : vector<16xi32>
        %swap3A_380 = arith.index_cast %add3A_377 : i32 to index
        %swap3A_381 = tpu.vector_load %arg7[%swap3A_380] {strides = array<i32>} : memref<8192xi32, #tpu.memory_space<vmem>>, vector<16xi32>,
        tpu.vector_store %arg7[%swap3A_380], %add3A_379 {strides = array<i32>} : memref<8192xi32, #tpu.memory_space<vmem>>, vector<16xi32>,
        %add3A_382 = vector.broadcast %add3A_370 : i32 to vector<16xi32>
        %add3A_383 = arith.addi %add3A_304, %add3A_382 : vector<16xi32>
        %swap3A_384 = arith.index_cast %add3A_377 : i32 to index
        %swap3A_385 = tpu.vector_load %arg8[%swap3A_384] {strides = array<i32>} : memref<8192xi32, #tpu.memory_space<vmem>>, vector<16xi32>,
        tpu.vector_store %arg8[%swap3A_384], %add3A_383 {strides = array<i32>} : memref<8192xi32, #tpu.memory_space<vmem>>, vector<16xi32>,
        %mul3A_386 = arith.constant 16000000 : i32
        %mul3A_387 = arith.muli %scan3A_310, %mul3A_386 : i32
        %add3A_388 = arith.constant 512 : i32
        %add3A_389 = arith.addi %mul3A_387, %add3A_388 : i32
        %mul3A_390 = arith.constant 1024 : i32
        %mul3A_391 = arith.muli %scan3A_272, %mul3A_390 : i32
        %mul3A_392 = arith.constant 128 : i32
        %mul3A_393 = arith.muli %scan3A_310, %mul3A_392 : i32
        %add3A_394 = arith.addi %mul3A_391, %mul3A_393 : i32
        %add3A_395 = arith.constant 64 : i32
        %add3A_396 = arith.addi %add3A_394, %add3A_395 : i32
        %add3A_397 = vector.broadcast %add3A_389 : i32 to vector<16xi32>
        %add3A_398 = arith.addi %add3A_294, %add3A_397 : vector<16xi32>
        %swap3A_399 = arith.index_cast %add3A_396 : i32 to index
        %swap3A_400 = tpu.vector_load %arg7[%swap3A_399] {strides = array<i32>} : memref<8192xi32, #tpu.memory_space<vmem>>, vector<16xi32>,
        tpu.vector_store %arg7[%swap3A_399], %add3A_398 {strides = array<i32>} : memref<8192xi32, #tpu.memory_space<vmem>>, vector<16xi32>,
        %add3A_401 = vector.broadcast %add3A_389 : i32 to vector<16xi32>
        %add3A_402 = arith.addi %add3A_304, %add3A_401 : vector<16xi32>
        %swap3A_403 = arith.index_cast %add3A_396 : i32 to index
        %swap3A_404 = tpu.vector_load %arg8[%swap3A_403] {strides = array<i32>} : memref<8192xi32, #tpu.memory_space<vmem>>, vector<16xi32>,
        tpu.vector_store %arg8[%swap3A_403], %add3A_402 {strides = array<i32>} : memref<8192xi32, #tpu.memory_space<vmem>>, vector<16xi32>,
        %mul3A_405 = arith.constant 16000000 : i32
        %mul3A_406 = arith.muli %scan3A_310, %mul3A_405 : i32
        %add3A_407 = arith.constant 640 : i32
        %add3A_408 = arith.addi %mul3A_406, %add3A_407 : i32
        %mul3A_409 = arith.constant 1024 : i32
        %mul3A_410 = arith.muli %scan3A_272, %mul3A_409 : i32
        %mul3A_411 = arith.constant 128 : i32
        %mul3A_412 = arith.muli %scan3A_310, %mul3A_411 : i32
        %add3A_413 = arith.addi %mul3A_410, %mul3A_412 : i32
        %add3A_414 = arith.constant 80 : i32
        %add3A_415 = arith.addi %add3A_413, %add3A_414 : i32
        %add3A_416 = vector.broadcast %add3A_408 : i32 to vector<16xi32>
        %add3A_417 = arith.addi %add3A_294, %add3A_416 : vector<16xi32>
        %swap3A_418 = arith.index_cast %add3A_415 : i32 to index
        %swap3A_419 = tpu.vector_load %arg7[%swap3A_418] {strides = array<i32>} : memref<8192xi32, #tpu.memory_space<vmem>>, vector<16xi32>,
        tpu.vector_store %arg7[%swap3A_418], %add3A_417 {strides = array<i32>} : memref<8192xi32, #tpu.memory_space<vmem>>, vector<16xi32>,
        %add3A_420 = vector.broadcast %add3A_408 : i32 to vector<16xi32>
        %add3A_421 = arith.addi %add3A_304, %add3A_420 : vector<16xi32>
        %swap3A_422 = arith.index_cast %add3A_415 : i32 to index
        %swap3A_423 = tpu.vector_load %arg8[%swap3A_422] {strides = array<i32>} : memref<8192xi32, #tpu.memory_space<vmem>>, vector<16xi32>,
        tpu.vector_store %arg8[%swap3A_422], %add3A_421 {strides = array<i32>} : memref<8192xi32, #tpu.memory_space<vmem>>, vector<16xi32>,
        %mul3A_424 = arith.constant 16000000 : i32
        %mul3A_425 = arith.muli %scan3A_310, %mul3A_424 : i32
        %add3A_426 = arith.constant 768 : i32
        %add3A_427 = arith.addi %mul3A_425, %add3A_426 : i32
        %mul3A_428 = arith.constant 1024 : i32
        %mul3A_429 = arith.muli %scan3A_272, %mul3A_428 : i32
        %mul3A_430 = arith.constant 128 : i32
        %mul3A_431 = arith.muli %scan3A_310, %mul3A_430 : i32
        %add3A_432 = arith.addi %mul3A_429, %mul3A_431 : i32
        %add3A_433 = arith.constant 96 : i32
        %add3A_434 = arith.addi %add3A_432, %add3A_433 : i32
        %add3A_435 = vector.broadcast %add3A_427 : i32 to vector<16xi32>
        %add3A_436 = arith.addi %add3A_294, %add3A_435 : vector<16xi32>
        %swap3A_437 = arith.index_cast %add3A_434 : i32 to index
        %swap3A_438 = tpu.vector_load %arg7[%swap3A_437] {strides = array<i32>} : memref<8192xi32, #tpu.memory_space<vmem>>, vector<16xi32>,
        tpu.vector_store %arg7[%swap3A_437], %add3A_436 {strides = array<i32>} : memref<8192xi32, #tpu.memory_space<vmem>>, vector<16xi32>,
        %add3A_439 = vector.broadcast %add3A_427 : i32 to vector<16xi32>
        %add3A_440 = arith.addi %add3A_304, %add3A_439 : vector<16xi32>
        %swap3A_441 = arith.index_cast %add3A_434 : i32 to index
        %swap3A_442 = tpu.vector_load %arg8[%swap3A_441] {strides = array<i32>} : memref<8192xi32, #tpu.memory_space<vmem>>, vector<16xi32>,
        tpu.vector_store %arg8[%swap3A_441], %add3A_440 {strides = array<i32>} : memref<8192xi32, #tpu.memory_space<vmem>>, vector<16xi32>,
        %mul3A_443 = arith.constant 16000000 : i32
        %mul3A_444 = arith.muli %scan3A_310, %mul3A_443 : i32
        %add3A_445 = arith.constant 896 : i32
        %add3A_446 = arith.addi %mul3A_444, %add3A_445 : i32
        %mul3A_447 = arith.constant 1024 : i32
        %mul3A_448 = arith.muli %scan3A_272, %mul3A_447 : i32
        %mul3A_449 = arith.constant 128 : i32
        %mul3A_450 = arith.muli %scan3A_310, %mul3A_449 : i32
        %add3A_451 = arith.addi %mul3A_448, %mul3A_450 : i32
        %add3A_452 = arith.constant 112 : i32
        %add3A_453 = arith.addi %add3A_451, %add3A_452 : i32
        %add3A_454 = vector.broadcast %add3A_446 : i32 to vector<16xi32>
        %add3A_455 = arith.addi %add3A_294, %add3A_454 : vector<16xi32>
        %swap3A_456 = arith.index_cast %add3A_453 : i32 to index
        %swap3A_457 = tpu.vector_load %arg7[%swap3A_456] {strides = array<i32>} : memref<8192xi32, #tpu.memory_space<vmem>>, vector<16xi32>,
        tpu.vector_store %arg7[%swap3A_456], %add3A_455 {strides = array<i32>} : memref<8192xi32, #tpu.memory_space<vmem>>, vector<16xi32>,
        %add3A_458 = vector.broadcast %add3A_446 : i32 to vector<16xi32>
        %add3A_459 = arith.addi %add3A_304, %add3A_458 : vector<16xi32>
        %swap3A_460 = arith.index_cast %add3A_453 : i32 to index
        %swap3A_461 = tpu.vector_load %arg8[%swap3A_460] {strides = array<i32>} : memref<8192xi32, #tpu.memory_space<vmem>>, vector<16xi32>,
        tpu.vector_store %arg8[%swap3A_460], %add3A_459 {strides = array<i32>} : memref<8192xi32, #tpu.memory_space<vmem>>, vector<16xi32>,
      }
      %scan3A_309 = arith.constant 8 : i32
    }
    %scan3A_205 = arith.constant 8 : i32
    %dma_start3A_206 = arith.constant 0 : i32
    %dma_start3A_207 = tpu.memref_slice %arg13[%dma_start3A_206] : memref<8192xf32, #tpu.memory_space<vmem>> -> memref<8192xf32, #tpu.memory_space<vmem>>
    %dma_start3A_208 = arith.constant 0 : i32
    %dma_start3A_209 = tpu.memref_slice %arg7[%dma_start3A_208] : memref<8192xi32, #tpu.memory_space<vmem>> -> memref<8192xi32, #tpu.memory_space<vmem>>
    %dma_start3A_210 = arith.constant 0 : i32
    %dma_start3A_211 = tpu.memref_slice %arg3[%dma_start3A_210] : memref<128000000xf32, #tpu.memory_space<hbm>> -> memref<128000000xf32, #tpu.memory_space<hbm>>
    tpu.enqueue_indirect_dma source(%dma_start3A_211 : memref<128000000xf32, #tpu.memory_space<hbm>>) target(%dma_start3A_207 : memref<8192xf32, #tpu.memory_space<vmem>>) offsets(%dma_start3A_209 : memref<8192xi32, #tpu.memory_space<vmem>>) semaphore(%arg20 : memref<!tpu.dma_semaphore, #tpu.memory_space<semaphore_mem>>)
    %dma_start3A_212 = arith.constant 0 : i32
    %dma_start3A_213 = tpu.memref_slice %arg14[%dma_start3A_212] : memref<8192xf32, #tpu.memory_space<vmem>> -> memref<8192xf32, #tpu.memory_space<vmem>>
    %dma_start3A_214 = arith.constant 0 : i32
    %dma_start3A_215 = tpu.memref_slice %arg8[%dma_start3A_214] : memref<8192xi32, #tpu.memory_space<vmem>> -> memref<8192xi32, #tpu.memory_space<vmem>>
    %dma_start3A_216 = arith.constant 0 : i32
    %dma_start3A_217 = tpu.memref_slice %arg3[%dma_start3A_216] : memref<128000000xf32, #tpu.memory_space<hbm>> -> memref<128000000xf32, #tpu.memory_space<hbm>>
    tpu.enqueue_indirect_dma source(%dma_start3A_217 : memref<128000000xf32, #tpu.memory_space<hbm>>) target(%dma_start3A_213 : memref<8192xf32, #tpu.memory_space<vmem>>) offsets(%dma_start3A_215 : memref<8192xi32, #tpu.memory_space<vmem>>) semaphore(%arg20 : memref<!tpu.dma_semaphore, #tpu.memory_space<semaphore_mem>>)
    %dma_wait3A_218 = arith.constant 0 : i32
    %dma_wait3A_219 = tpu.memref_slice %arg15[%dma_wait3A_218] : memref<8192xf32, #tpu.memory_space<vmem>> -> memref<8192xf32, #tpu.memory_space<vmem>>
    %dma_wait3A_220 = arith.constant 0 : i32
    %dma_wait3A_221 = tpu.memref_slice %arg9[%dma_wait3A_220] : memref<8192xi32, #tpu.memory_space<vmem>> -> memref<8192xi32, #tpu.memory_space<vmem>>
    %dma_wait3A_222 = arith.constant 0 : i32
    %dma_wait3A_223 = tpu.memref_slice %arg3[%dma_wait3A_222] : memref<128000000xf32, #tpu.memory_space<hbm>> -> memref<128000000xf32, #tpu.memory_space<hbm>>
    tpu.wait_indirect_dma semaphore(%arg21 : memref<!tpu.dma_semaphore, #tpu.memory_space<semaphore_mem>>) src(%dma_wait3A_223 : memref<128000000xf32, #tpu.memory_space<hbm>>) dst(%dma_wait3A_219 : memref<8192xf32, #tpu.memory_space<vmem>>)
    %dma_wait3A_224 = arith.constant 0 : i32
    %dma_wait3A_225 = tpu.memref_slice %arg16[%dma_wait3A_224] : memref<8192xf32, #tpu.memory_space<vmem>> -> memref<8192xf32, #tpu.memory_space<vmem>>
    %dma_wait3A_226 = arith.constant 0 : i32
    %dma_wait3A_227 = tpu.memref_slice %arg10[%dma_wait3A_226] : memref<8192xi32, #tpu.memory_space<vmem>> -> memref<8192xi32, #tpu.memory_space<vmem>>
    %dma_wait3A_228 = arith.constant 0 : i32
    %dma_wait3A_229 = tpu.memref_slice %arg3[%dma_wait3A_228] : memref<128000000xf32, #tpu.memory_space<hbm>> -> memref<128000000xf32, #tpu.memory_space<hbm>>
    tpu.wait_indirect_dma semaphore(%arg21 : memref<!tpu.dma_semaphore, #tpu.memory_space<semaphore_mem>>) src(%dma_wait3A_229 : memref<128000000xf32, #tpu.memory_space<hbm>>) dst(%dma_wait3A_225 : memref<8192xf32, #tpu.memory_space<vmem>>)
    %scan3A_230 = arith.constant 0 : i32
    %scan3A_231 = arith.constant 0 : i32
    %scan3A_232 = arith.constant 8 : i32
    %scan3A_233 = arith.addi %scan3A_231, %scan3A_232 : i32
    %scan3A_234 = arith.constant 1 : i32
    scf.for %scan3A_272 = %scan3A_231 to %scan3A_233 step %scan3A_234  : i32 {
      %broadcast_in_dim3A = arith.constant 0.000000e+00 : f32
      %broadcast_in_dim3A_273 = vector.broadcast %broadcast_in_dim3A : f32 to vector<16xf32>
      %scan3A_274 = arith.constant 0 : i32
      %scan3A_275 = arith.constant 16 : i32
      %scan3A_276 = arith.addi %scan3A_274, %scan3A_275 : i32
      %scan3A_277 = arith.constant 1 : i32
      %scan3A_278 = scf.for %scan3A_285 = %scan3A_274 to %scan3A_276 step %scan3A_277 iter_args(%scan3A_286 = %broadcast_in_dim3A_273) -> (vector<16xf32>)  : i32 {
        %mul3A_287 = arith.constant 1024 : i32
        %mul3A_288 = arith.muli %scan3A_272, %mul3A_287 : i32
        %mul3A_289 = arith.constant 64 : i32
        %mul3A_290 = arith.muli %scan3A_285, %mul3A_289 : i32
        %add3A_291 = arith.addi %mul3A_288, %mul3A_290 : i32
        %get3A = arith.index_cast %add3A_291 : i32 to index
        %get3A_292 = tpu.vector_load %arg15[%get3A] {strides = array<i32>} : memref<8192xf32, #tpu.memory_space<vmem>>, vector<16xf32>,
        %get3A_293 = arith.index_cast %add3A_291 : i32 to index
        %get3A_294 = tpu.vector_load %arg16[%get3A_293] {strides = array<i32>} : memref<8192xf32, #tpu.memory_space<vmem>>, vector<16xf32>,
        %mul3A_295 = arith.mulf %get3A_292, %get3A_294 : vector<16xf32>
        %add3A_296 = arith.addf %scan3A_286, %mul3A_295 : vector<16xf32>
        %add3A_297 = arith.constant 16 : i32
        %add3A_298 = arith.addi %add3A_291, %add3A_297 : i32
        %get3A_299 = arith.index_cast %add3A_298 : i32 to index
        %get3A_300 = tpu.vector_load %arg15[%get3A_299] {strides = array<i32>} : memref<8192xf32, #tpu.memory_space<vmem>>, vector<16xf32>,
        %add3A_301 = arith.constant 16 : i32
        %add3A_302 = arith.addi %add3A_291, %add3A_301 : i32
        %get3A_303 = arith.index_cast %add3A_302 : i32 to index
        %get3A_304 = tpu.vector_load %arg16[%get3A_303] {strides = array<i32>} : memref<8192xf32, #tpu.memory_space<vmem>>, vector<16xf32>,
        %mul3A_305 = arith.mulf %get3A_300, %get3A_304 : vector<16xf32>
        %add3A_306 = arith.addf %add3A_296, %mul3A_305 : vector<16xf32>
        %add3A_307 = arith.constant 32 : i32
        %add3A_308 = arith.addi %add3A_291, %add3A_307 : i32
        %get3A_309 = arith.index_cast %add3A_308 : i32 to index
        %get3A_310 = tpu.vector_load %arg15[%get3A_309] {strides = array<i32>} : memref<8192xf32, #tpu.memory_space<vmem>>, vector<16xf32>,
        %add3A_311 = arith.constant 32 : i32
        %add3A_312 = arith.addi %add3A_291, %add3A_311 : i32
        %get3A_313 = arith.index_cast %add3A_312 : i32 to index
        %get3A_314 = tpu.vector_load %arg16[%get3A_313] {strides = array<i32>} : memref<8192xf32, #tpu.memory_space<vmem>>, vector<16xf32>,
        %mul3A_315 = arith.mulf %get3A_310, %get3A_314 : vector<16xf32>
        %add3A_316 = arith.addf %add3A_306, %mul3A_315 : vector<16xf32>
        %add3A_317 = arith.constant 48 : i32
        %add3A_318 = arith.addi %add3A_291, %add3A_317 : i32
        %get3A_319 = arith.index_cast %add3A_318 : i32 to index
        %get3A_320 = tpu.vector_load %arg15[%get3A_319] {strides = array<i32>} : memref<8192xf32, #tpu.memory_space<vmem>>, vector<16xf32>,
        %add3A_321 = arith.constant 48 : i32
        %add3A_322 = arith.addi %add3A_291, %add3A_321 : i32
        %get3A_323 = arith.index_cast %add3A_322 : i32 to index
        %get3A_324 = tpu.vector_load %arg16[%get3A_323] {strides = array<i32>} : memref<8192xf32, #tpu.memory_space<vmem>>, vector<16xf32>,
        %mul3A_325 = arith.mulf %get3A_320, %get3A_324 : vector<16xf32>
        %add3A_326 = arith.addf %add3A_316, %mul3A_325 : vector<16xf32>
        scf.yield %add3A_326 : vector<16xf32>
      }
      %scan3A_279 = arith.constant 16 : i32
      %mul3A_280 = arith.constant 16 : i32
      %mul3A_281 = arith.muli %scan3A_272, %mul3A_280 : i32
      %add3A_282 = arith.constant 128 : i32
      %add3A_283 = arith.addi %add3A_282, %mul3A_281 : i32
      %swap3A = arith.index_cast %add3A_283 : i32 to index
      %swap3A_284 = tpu.vector_load %arg19[%swap3A] {strides = array<i32>} : memref<512xf32, #tpu.memory_space<vmem>>, vector<16xf32>,
      tpu.vector_store %arg19[%swap3A], %scan3A_278 {strides = array<i32>} : memref<512xf32, #tpu.memory_space<vmem>>, vector<16xf32>,
    }
    %scan3A_235 = arith.constant 8 : i32
    %dma_wait3A_236 = arith.constant 0 : i32
    %dma_wait3A_237 = tpu.memref_slice %arg17[%dma_wait3A_236] : memref<8192xf32, #tpu.memory_space<vmem>> -> memref<8192xf32, #tpu.memory_space<vmem>>
    %dma_wait3A_238 = arith.constant 0 : i32
    %dma_wait3A_239 = tpu.memref_slice %arg11[%dma_wait3A_238] : memref<8192xi32, #tpu.memory_space<vmem>> -> memref<8192xi32, #tpu.memory_space<vmem>>
    %dma_wait3A_240 = arith.constant 0 : i32
    %dma_wait3A_241 = tpu.memref_slice %arg3[%dma_wait3A_240] : memref<128000000xf32, #tpu.memory_space<hbm>> -> memref<128000000xf32, #tpu.memory_space<hbm>>
    tpu.wait_indirect_dma semaphore(%arg22 : memref<!tpu.dma_semaphore, #tpu.memory_space<semaphore_mem>>) src(%dma_wait3A_241 : memref<128000000xf32, #tpu.memory_space<hbm>>) dst(%dma_wait3A_237 : memref<8192xf32, #tpu.memory_space<vmem>>)
    %dma_wait3A_242 = arith.constant 0 : i32
    %dma_wait3A_243 = tpu.memref_slice %arg18[%dma_wait3A_242] : memref<8192xf32, #tpu.memory_space<vmem>> -> memref<8192xf32, #tpu.memory_space<vmem>>
    %dma_wait3A_244 = arith.constant 0 : i32
    %dma_wait3A_245 = tpu.memref_slice %arg12[%dma_wait3A_244] : memref<8192xi32, #tpu.memory_space<vmem>> -> memref<8192xi32, #tpu.memory_space<vmem>>
    %dma_wait3A_246 = arith.constant 0 : i32
    %dma_wait3A_247 = tpu.memref_slice %arg3[%dma_wait3A_246] : memref<128000000xf32, #tpu.memory_space<hbm>> -> memref<128000000xf32, #tpu.memory_space<hbm>>
    tpu.wait_indirect_dma semaphore(%arg22 : memref<!tpu.dma_semaphore, #tpu.memory_space<semaphore_mem>>) src(%dma_wait3A_247 : memref<128000000xf32, #tpu.memory_space<hbm>>) dst(%dma_wait3A_243 : memref<8192xf32, #tpu.memory_space<vmem>>)
    %scan3A_248 = arith.constant 0 : i32
    %scan3A_249 = arith.constant 0 : i32
    %scan3A_250 = arith.constant 8 : i32
    %scan3A_251 = arith.addi %scan3A_249, %scan3A_250 : i32
    %scan3A_252 = arith.constant 1 : i32
    scf.for %scan3A_272 = %scan3A_249 to %scan3A_251 step %scan3A_252  : i32 {
      %broadcast_in_dim3A = arith.constant 0.000000e+00 : f32
      %broadcast_in_dim3A_273 = vector.broadcast %broadcast_in_dim3A : f32 to vector<16xf32>
      %scan3A_274 = arith.constant 0 : i32
      %scan3A_275 = arith.constant 16 : i32
      %scan3A_276 = arith.addi %scan3A_274, %scan3A_275 : i32
      %scan3A_277 = arith.constant 1 : i32
      %scan3A_278 = scf.for %scan3A_285 = %scan3A_274 to %scan3A_276 step %scan3A_277 iter_args(%scan3A_286 = %broadcast_in_dim3A_273) -> (vector<16xf32>)  : i32 {
        %mul3A_287 = arith.constant 1024 : i32
        %mul3A_288 = arith.muli %scan3A_272, %mul3A_287 : i32
        %mul3A_289 = arith.constant 64 : i32
        %mul3A_290 = arith.muli %scan3A_285, %mul3A_289 : i32
        %add3A_291 = arith.addi %mul3A_288, %mul3A_290 : i32
        %get3A = arith.index_cast %add3A_291 : i32 to index
        %get3A_292 = tpu.vector_load %arg17[%get3A] {strides = array<i32>} : memref<8192xf32, #tpu.memory_space<vmem>>, vector<16xf32>,
        %get3A_293 = arith.index_cast %add3A_291 : i32 to index
        %get3A_294 = tpu.vector_load %arg18[%get3A_293] {strides = array<i32>} : memref<8192xf32, #tpu.memory_space<vmem>>, vector<16xf32>,
        %mul3A_295 = arith.mulf %get3A_292, %get3A_294 : vector<16xf32>
        %add3A_296 = arith.addf %scan3A_286, %mul3A_295 : vector<16xf32>
        %add3A_297 = arith.constant 16 : i32
        %add3A_298 = arith.addi %add3A_291, %add3A_297 : i32
        %get3A_299 = arith.index_cast %add3A_298 : i32 to index
        %get3A_300 = tpu.vector_load %arg17[%get3A_299] {strides = array<i32>} : memref<8192xf32, #tpu.memory_space<vmem>>, vector<16xf32>,
        %add3A_301 = arith.constant 16 : i32
        %add3A_302 = arith.addi %add3A_291, %add3A_301 : i32
        %get3A_303 = arith.index_cast %add3A_302 : i32 to index
        %get3A_304 = tpu.vector_load %arg18[%get3A_303] {strides = array<i32>} : memref<8192xf32, #tpu.memory_space<vmem>>, vector<16xf32>,
        %mul3A_305 = arith.mulf %get3A_300, %get3A_304 : vector<16xf32>
        %add3A_306 = arith.addf %add3A_296, %mul3A_305 : vector<16xf32>
        %add3A_307 = arith.constant 32 : i32
        %add3A_308 = arith.addi %add3A_291, %add3A_307 : i32
        %get3A_309 = arith.index_cast %add3A_308 : i32 to index
        %get3A_310 = tpu.vector_load %arg17[%get3A_309] {strides = array<i32>} : memref<8192xf32, #tpu.memory_space<vmem>>, vector<16xf32>,
        %add3A_311 = arith.constant 32 : i32
        %add3A_312 = arith.addi %add3A_291, %add3A_311 : i32
        %get3A_313 = arith.index_cast %add3A_312 : i32 to index
        %get3A_314 = tpu.vector_load %arg18[%get3A_313] {strides = array<i32>} : memref<8192xf32, #tpu.memory_space<vmem>>, vector<16xf32>,
        %mul3A_315 = arith.mulf %get3A_310, %get3A_314 : vector<16xf32>
        %add3A_316 = arith.addf %add3A_306, %mul3A_315 : vector<16xf32>
        %add3A_317 = arith.constant 48 : i32
        %add3A_318 = arith.addi %add3A_291, %add3A_317 : i32
        %get3A_319 = arith.index_cast %add3A_318 : i32 to index
        %get3A_320 = tpu.vector_load %arg17[%get3A_319] {strides = array<i32>} : memref<8192xf32, #tpu.memory_space<vmem>>, vector<16xf32>,
        %add3A_321 = arith.constant 48 : i32
        %add3A_322 = arith.addi %add3A_291, %add3A_321 : i32
        %get3A_323 = arith.index_cast %add3A_322 : i32 to index
        %get3A_324 = tpu.vector_load %arg18[%get3A_323] {strides = array<i32>} : memref<8192xf32, #tpu.memory_space<vmem>>, vector<16xf32>,
        %mul3A_325 = arith.mulf %get3A_320, %get3A_324 : vector<16xf32>
        %add3A_326 = arith.addf %add3A_316, %mul3A_325 : vector<16xf32>
        scf.yield %add3A_326 : vector<16xf32>
      }
      %scan3A_279 = arith.constant 16 : i32
      %mul3A_280 = arith.constant 16 : i32
      %mul3A_281 = arith.muli %scan3A_272, %mul3A_280 : i32
      %add3A_282 = arith.constant 256 : i32
      %add3A_283 = arith.addi %add3A_282, %mul3A_281 : i32
      %swap3A = arith.index_cast %add3A_283 : i32 to index
      %swap3A_284 = tpu.vector_load %arg19[%swap3A] {strides = array<i32>} : memref<512xf32, #tpu.memory_space<vmem>>, vector<16xf32>,
      tpu.vector_store %arg19[%swap3A], %scan3A_278 {strides = array<i32>} : memref<512xf32, #tpu.memory_space<vmem>>, vector<16xf32>,
    }
    %scan3A_253 = arith.constant 8 : i32
    %dma_wait3A_254 = arith.constant 0 : i32
    %dma_wait3A_255 = tpu.memref_slice %arg13[%dma_wait3A_254] : memref<8192xf32, #tpu.memory_space<vmem>> -> memref<8192xf32, #tpu.memory_space<vmem>>
    %dma_wait3A_256 = arith.constant 0 : i32
    %dma_wait3A_257 = tpu.memref_slice %arg7[%dma_wait3A_256] : memref<8192xi32, #tpu.memory_space<vmem>> -> memref<8192xi32, #tpu.memory_space<vmem>>
    %dma_wait3A_258 = arith.constant 0 : i32
    %dma_wait3A_259 = tpu.memref_slice %arg3[%dma_wait3A_258] : memref<128000000xf32, #tpu.memory_space<hbm>> -> memref<128000000xf32, #tpu.memory_space<hbm>>
    tpu.wait_indirect_dma semaphore(%arg20 : memref<!tpu.dma_semaphore, #tpu.memory_space<semaphore_mem>>) src(%dma_wait3A_259 : memref<128000000xf32, #tpu.memory_space<hbm>>) dst(%dma_wait3A_255 : memref<8192xf32, #tpu.memory_space<vmem>>)
    %dma_wait3A_260 = arith.constant 0 : i32
    %dma_wait3A_261 = tpu.memref_slice %arg14[%dma_wait3A_260] : memref<8192xf32, #tpu.memory_space<vmem>> -> memref<8192xf32, #tpu.memory_space<vmem>>
    %dma_wait3A_262 = arith.constant 0 : i32
    %dma_wait3A_263 = tpu.memref_slice %arg8[%dma_wait3A_262] : memref<8192xi32, #tpu.memory_space<vmem>> -> memref<8192xi32, #tpu.memory_space<vmem>>
    %dma_wait3A_264 = arith.constant 0 : i32
    %dma_wait3A_265 = tpu.memref_slice %arg3[%dma_wait3A_264] : memref<128000000xf32, #tpu.memory_space<hbm>> -> memref<128000000xf32, #tpu.memory_space<hbm>>
    tpu.wait_indirect_dma semaphore(%arg20 : memref<!tpu.dma_semaphore, #tpu.memory_space<semaphore_mem>>) src(%dma_wait3A_265 : memref<128000000xf32, #tpu.memory_space<hbm>>) dst(%dma_wait3A_261 : memref<8192xf32, #tpu.memory_space<vmem>>)
    %scan3A_266 = arith.constant 0 : i32
    %scan3A_267 = arith.constant 0 : i32
    %scan3A_268 = arith.constant 8 : i32
    %scan3A_269 = arith.addi %scan3A_267, %scan3A_268 : i32
    %scan3A_270 = arith.constant 1 : i32
    scf.for %scan3A_272 = %scan3A_267 to %scan3A_269 step %scan3A_270  : i32 {
      %broadcast_in_dim3A = arith.constant 0.000000e+00 : f32
      %broadcast_in_dim3A_273 = vector.broadcast %broadcast_in_dim3A : f32 to vector<16xf32>
      %scan3A_274 = arith.constant 0 : i32
      %scan3A_275 = arith.constant 16 : i32
      %scan3A_276 = arith.addi %scan3A_274, %scan3A_275 : i32
      %scan3A_277 = arith.constant 1 : i32
      %scan3A_278 = scf.for %scan3A_285 = %scan3A_274 to %scan3A_276 step %scan3A_277 iter_args(%scan3A_286 = %broadcast_in_dim3A_273) -> (vector<16xf32>)  : i32 {
        %mul3A_287 = arith.constant 1024 : i32
        %mul3A_288 = arith.muli %scan3A_272, %mul3A_287 : i32
        %mul3A_289 = arith.constant 64 : i32
        %mul3A_290 = arith.muli %scan3A_285, %mul3A_289 : i32
        %add3A_291 = arith.addi %mul3A_288, %mul3A_290 : i32
        %get3A = arith.index_cast %add3A_291 : i32 to index
        %get3A_292 = tpu.vector_load %arg13[%get3A] {strides = array<i32>} : memref<8192xf32, #tpu.memory_space<vmem>>, vector<16xf32>,
        %get3A_293 = arith.index_cast %add3A_291 : i32 to index
        %get3A_294 = tpu.vector_load %arg14[%get3A_293] {strides = array<i32>} : memref<8192xf32, #tpu.memory_space<vmem>>, vector<16xf32>,
        %mul3A_295 = arith.mulf %get3A_292, %get3A_294 : vector<16xf32>
        %add3A_296 = arith.addf %scan3A_286, %mul3A_295 : vector<16xf32>
        %add3A_297 = arith.constant 16 : i32
        %add3A_298 = arith.addi %add3A_291, %add3A_297 : i32
        %get3A_299 = arith.index_cast %add3A_298 : i32 to index
        %get3A_300 = tpu.vector_load %arg13[%get3A_299] {strides = array<i32>} : memref<8192xf32, #tpu.memory_space<vmem>>, vector<16xf32>,
        %add3A_301 = arith.constant 16 : i32
        %add3A_302 = arith.addi %add3A_291, %add3A_301 : i32
        %get3A_303 = arith.index_cast %add3A_302 : i32 to index
        %get3A_304 = tpu.vector_load %arg14[%get3A_303] {strides = array<i32>} : memref<8192xf32, #tpu.memory_space<vmem>>, vector<16xf32>,
        %mul3A_305 = arith.mulf %get3A_300, %get3A_304 : vector<16xf32>
        %add3A_306 = arith.addf %add3A_296, %mul3A_305 : vector<16xf32>
        %add3A_307 = arith.constant 32 : i32
        %add3A_308 = arith.addi %add3A_291, %add3A_307 : i32
        %get3A_309 = arith.index_cast %add3A_308 : i32 to index
        %get3A_310 = tpu.vector_load %arg13[%get3A_309] {strides = array<i32>} : memref<8192xf32, #tpu.memory_space<vmem>>, vector<16xf32>,
        %add3A_311 = arith.constant 32 : i32
        %add3A_312 = arith.addi %add3A_291, %add3A_311 : i32
        %get3A_313 = arith.index_cast %add3A_312 : i32 to index
        %get3A_314 = tpu.vector_load %arg14[%get3A_313] {strides = array<i32>} : memref<8192xf32, #tpu.memory_space<vmem>>, vector<16xf32>,
        %mul3A_315 = arith.mulf %get3A_310, %get3A_314 : vector<16xf32>
        %add3A_316 = arith.addf %add3A_306, %mul3A_315 : vector<16xf32>
        %add3A_317 = arith.constant 48 : i32
        %add3A_318 = arith.addi %add3A_291, %add3A_317 : i32
        %get3A_319 = arith.index_cast %add3A_318 : i32 to index
        %get3A_320 = tpu.vector_load %arg13[%get3A_319] {strides = array<i32>} : memref<8192xf32, #tpu.memory_space<vmem>>, vector<16xf32>,
        %add3A_321 = arith.constant 48 : i32
        %add3A_322 = arith.addi %add3A_291, %add3A_321 : i32
        %get3A_323 = arith.index_cast %add3A_322 : i32 to index
        %get3A_324 = tpu.vector_load %arg14[%get3A_323] {strides = array<i32>} : memref<8192xf32, #tpu.memory_space<vmem>>, vector<16xf32>,
        %mul3A_325 = arith.mulf %get3A_320, %get3A_324 : vector<16xf32>
        %add3A_326 = arith.addf %add3A_316, %mul3A_325 : vector<16xf32>
        scf.yield %add3A_326 : vector<16xf32>
      }
      %scan3A_279 = arith.constant 16 : i32
      %mul3A_280 = arith.constant 16 : i32
      %mul3A_281 = arith.muli %scan3A_272, %mul3A_280 : i32
      %add3A_282 = arith.constant 384 : i32
      %add3A_283 = arith.addi %add3A_282, %mul3A_281 : i32
      %swap3A = arith.index_cast %add3A_283 : i32 to index
      %swap3A_284 = tpu.vector_load %arg19[%swap3A] {strides = array<i32>} : memref<512xf32, #tpu.memory_space<vmem>>, vector<16xf32>,
      tpu.vector_store %arg19[%swap3A], %scan3A_278 {strides = array<i32>} : memref<512xf32, #tpu.memory_space<vmem>>, vector<16xf32>,
    }
    %scan3A_271 = arith.constant 8 : i32
    "tpu.region"() ({
      %run_scoped3A = tpu.sem_alloc : memref<!tpu.dma_semaphore, #tpu.memory_space<semaphore_mem>>
      %dma_start3A_272 = tpu.memref_slice %arg4[%mul3A_2] : memref<16384xf32, #tpu.memory_space<hbm>> -> memref<512xf32, #tpu.memory_space<hbm>>
      %dma_start3A_273 = tpu.memref_slice %arg4[%mul3A_2] : memref<16384xf32, #tpu.memory_space<hbm>> -> memref<512xf32, #tpu.memory_space<hbm>>
      tpu.enqueue_dma source(%arg19 : memref<512xf32, #tpu.memory_space<vmem>>) target(%dma_start3A_273 : memref<512xf32, #tpu.memory_space<hbm>>) target_semaphore(%run_scoped3A : memref<!tpu.dma_semaphore, #tpu.memory_space<semaphore_mem>>)
      %dma_wait3A_274 = tpu.memref_slice %arg4[%mul3A_2] : memref<16384xf32, #tpu.memory_space<hbm>> -> memref<512xf32, #tpu.memory_space<hbm>>
      %dma_wait3A_275 = tpu.memref_slice %arg4[%mul3A_2] : memref<16384xf32, #tpu.memory_space<hbm>> -> memref<512xf32, #tpu.memory_space<hbm>>
      tpu.wait_dma2 semaphore(%run_scoped3A : memref<!tpu.dma_semaphore, #tpu.memory_space<semaphore_mem>>) src(%arg19 : memref<512xf32, #tpu.memory_space<vmem>>) dst(%dma_wait3A_275 : memref<512xf32, #tpu.memory_space<hbm>>)
      tpu.yield
    }) : () -> ()
    return
  }
}

</mosaic_0001>

<sc_bundles>
// kernel: kernel.3.cloned.1.call-start
scs
__scs_entry_jumppad:
0x0: {  	(pc) =	sbr.rel $0x88, $3  }
0x1: {  	(tag) =	ssettag $0x0;
	lr =	simm.s32 $0x1  }
0x2: {  	[smem:$0x3F9F] =	sst lr;
	_ =	strace $0xD0000000  }
0x3: {  	_ = 	snop  }
0x4: {  	_ = 	snop  }
0x5: {  	_ = 	snop  }
0x6: {  	_ = 	snop  }
0x7: {  	_ = 	snop  }
__scs_overlays_trampoline_lowered:
0x8: {  	[smem:$0x3FAE] =	sst s0  }
0x9: {  	[smem:$0x3FAF] =	sst s1  }
0xa: {  	[smem:$0x3FB0] =	sst s2  }
0xb: {  	[smem:$0x3FB1] =	sst s3  }
0xc: {  	[smem:$0x3FB2] =	sst s4  }
0xd: {  	[smem:$0x3FB3] =	sst s5  }
0xe: {  	[smem:$0x3FB4] =	sst s6  }
0xf: {  	[smem:$0x3FB5] =	sst s7  }
0x10: {  	[smem:$0x3FB6] =	sst s8  }
0x11: {  	[smem:$0x3FB7] =	sst s9;
	s0 =	simm.s32 @!p0 $0x0  }
0x12: {  	s1 =	sld [smem:$0x3F9D];
	s0 =	simm.s32 @p0 $0x1  }
0x13: {  	[smem:$0x3FB8] =	sst s0;
	s0 =	simm.s32 @!p1 $0x0  }
0x14: {  	s2 =	sld [smem:$0x3F9C];
	s0 =	simm.s32 @p1 $0x1  }
0x15: {  	[smem:$0x3FB9] =	sst s0;
	s0 =	simm.s32 @!p2 $0x0  }
0x16: {  	s3 =	sld [smem:$0x3FDB];
	s0 =	simm.s32 @p2 $0x1  }
0x17: {  	s4 =	simm.s32 $0x1BF5;
	[smem:$0x3FBB] =	sst s0  }
0x18: {  	s0 =	sld [smem:$0x3F9E];
	_ =	swait.ge [sflag:s4], $0x0  }
0x19: {  	s7 =	sld [smem:$0x3F9F]  }
0x1a: {  	s8 =	sadd.s32 $0xFFFFE003, lr  }
0x1b: {  	s9 =	sadd.s32 $0xFFFFFEF7, lr;
	s5 =	simm.s32 $0xFFFFFFFF;
	p2 =	slt.u32 s8, $0xFFFFF086  }
0x1c: {  	p1 =	slt.u32 s9, $0xF7A;
	s5 =	simm.s32 @!p2 $0x0  }
0x1d: {  	s5 =	simm.s32 @p1 $0x1;
	p0 =	seq.s32 s7, s2  }
0x1e: {  	s7 =	smul.u32 @!p0 $0xF7A, s2;
	p2 =	seq.s32 @!p0 s5, $0x0  }
0x1f: {  	s9 =	smul.u32 $0xF7A, s1;
	s8 =	simm.s32 @!p0 $0x1BF5;
	p2 =	por !p2, p0  }
0x20: {  	[sflag:s8] =	ssyncset.s32 @!p0 $0xFFFFF086;
	s6 =	sadd.s32 @!p0 s3, s7;
	s7 =	simm.s32 @!p0 $0x108  }
0x21: {  	s3 =	sadd.s32 s3, s9;
	s6 =	sadd.s32 @!p0 $0x88, s6;
	s7 =	simm.s32 @p2 $0x1082  }
0x22: {  	[simem:s7], [sflag:s8] =	dma.local @!p0 [hbm:s6], $0xF7A  }
0x23: {  	s9 =	sor.u32 $0xD0000000, s2;
	s6 =	simm.s32 $0x108;
	_ =	swait.ge @!p0 [sflag:s8], $0x0  }
0x24: {  	s3 =	sadd.s32 $0x88, s3;
	s6 =	simm.s32 @!p1 $0x1082;
	[sflag:s4] =	ssyncset.s32 $0xFFFFF086  }
0x25: {  	[simem:s6], [sflag:s4] =	dma.local [hbm:s3], $0xF7A  }
0x26: {  	[smem:$0x3F9F] =	sst s1;
	(tag) =	ssettag s2;
	_ =	strace s9  }
0x27: {  	s1 =	sld [smem:$0x3FAF]  }
0x28: {  	s2 =	sld [smem:$0x3FB0]  }
0x29: {  	s4 =	sld [smem:$0x3FB2]  }
0x2a: {  	p0 =	seq.s32 s5, $0x0;
	s5 =	sld [smem:$0x3FB3]  }
0x2b: {  	s6 =	sld [smem:$0x3FB4]  }
0x2c: {  	s7 =	sld [smem:$0x3FB5]  }
0x2d: {  	s3 =	simm.s32 $0x108;
	s8 =	sld [smem:$0x3FB6]  }
0x2e: {  	s3 =	simm.s32 @!p0 $0x1082;
	s9 =	sld [smem:$0x3FB7]  }
0x2f: {  	lr =	sadd.s32 s0, s3;
	s0 =	sld [smem:$0x3FAE]  }
0x30: {  	s3 =	sld [smem:$0x3FB1]  }
0x31: {  	[smem:$0x3FBA] =	sst s10  }
0x32: {  	s10 =	sld [smem:$0x3FB8];
	_ =	sdelay $0x3  }
0x33: {  	p0 =	seq.s32 s10, $0x1;
	s10 =	sld [smem:$0x3FBA];
	_ =	sdelay $0x3  }
0x34: {  	[smem:$0x3FBA] =	sst s10  }
0x35: {  	s10 =	sld [smem:$0x3FB9];
	_ =	sdelay $0x3  }
0x36: {  	p1 =	seq.s32 s10, $0x1;
	s10 =	sld [smem:$0x3FBA];
	_ =	sdelay $0x3  }
0x37: {  	[smem:$0x3FBA] =	sst s10  }
0x38: {  	s10 =	sld [smem:$0x3FBB]  }
0x39: {  	_ = 	snop;
	(pc) =	sbr.ind lr, $3  }
0x3a: {  	_ = 	snop  }
0x3b: {  	_ = 	snop  }
0x3c: {  	p2 =	seq.s32 s10, $0x1;
	s10 =	sld [smem:$0x3FBA]  }
0x3d: {  	_ =	shalt  }
0x3e: {  	_ =	shalt  }
0x3f: {  	_ =	shalt  }
0x40: {  	_ =	shalt  }
0x41: {  	_ =	shalt  }
0x42: {  	_ =	shalt  }
0x43: {  	_ =	shalt  }
0x44: {  	_ =	shalt  }
0x45: {  	_ =	shalt  }
0x46: {  	_ =	shalt  }
0x47: {  	_ =	shalt  }
0x48: {  	_ =	shalt  }
0x49: {  	_ =	shalt  }
0x4a: {  	_ =	shalt  }
0x4b: {  	_ =	shalt  }
0x4c: {  	_ =	shalt  }
0x4d: {  	_ =	shalt  }
0x4e: {  	_ =	shalt  }
0x4f: {  	_ =	shalt  }
0x50: {  	_ =	shalt  }
0x51: {  	_ =	shalt  }
0x52: {  	_ =	shalt  }
0x53: {  	_ =	shalt  }
0x54: {  	_ =	shalt  }
0x55: {  	_ =	shalt  }
0x56: {  	_ =	shalt  }
0x57: {  	_ =	shalt  }
0x58: {  	_ =	shalt  }
0x59: {  	_ =	shalt  }
0x5a: {  	_ =	shalt  }
0x5b: {  	_ =	shalt  }
0x5c: {  	_ =	shalt  }
0x5d: {  	_ =	shalt  }
0x5e: {  	_ =	shalt  }
0x5f: {  	_ =	shalt  }
0x60: {  	_ =	shalt  }
0x61: {  	_ =	shalt  }
0x62: {  	_ =	shalt  }
0x63: {  	_ =	shalt  }
0x64: {  	_ =	shalt  }
0x65: {  	_ =	shalt  }
0x66: {  	_ =	shalt  }
0x67: {  	_ =	shalt  }
0x68: {  	_ =	shalt  }
0x69: {  	_ =	shalt  }
0x6a: {  	_ =	shalt  }
0x6b: {  	_ =	shalt  }
0x6c: {  	_ =	shalt  }
0x6d: {  	_ =	shalt  }
0x6e: {  	_ =	shalt  }
0x6f: {  	_ =	shalt  }
0x70: {  	_ =	shalt  }
0x71: {  	_ =	shalt  }
0x72: {  	_ =	shalt  }
0x73: {  	_ =	shalt  }
0x74: {  	_ =	shalt  }
0x75: {  	_ =	shalt  }
0x76: {  	_ =	shalt  }
0x77: {  	_ =	shalt  }
0x78: {  	_ =	shalt  }
0x79: {  	_ =	shalt  }
0x7a: {  	_ =	shalt  }
0x7b: {  	_ =	shalt  }
0x7c: {  	_ =	shalt  }
0x7d: {  	_ =	shalt  }
0x7e: {  	_ =	shalt  }
0x7f: {  	_ =	shalt  }
0x80: {  	_ =	shalt  }
0x81: {  	_ =	shalt  }
0x82: {  	_ =	shalt  }
0x83: {  	_ =	shalt  }
0x84: {  	_ =	shalt  }
0x85: {  	_ =	shalt  }
0x86: {  	_ =	shalt  }
0x87: {  	_ =	shalt  }
.Lfunc_end0:
.L_simem_size_0:
called_computation_lowered:
.L_overlay_start_0:
0x88: {  	s2 =	sld [smem:$0x3FD9]  }
0x89: {  	s3 =	sld [smem:$0x3FFE];
	_ =	sdelay $0x1  }
0x8a: {  	s1 =	srdreg.scid  }
0x8b: {  	s0 =	sand.u32 $0x1, s1  }
0x8c: {  	s18 =	sshll.u32 s0, $0xA;
	s2 =	sadd.s32 s3, s2  }
0x8d: {  	s2 =	sadd.s32 s2, s18  }
0x8e: {  	[smem:$0x3FC6] =	sst s2  }
0x8f: {  	_ = 	snop  }
0x90: {  	s2 =	sld [smem:$0x3FC9]  }
0x91: {  	s19 =	sld [smem:$0x3FC8]  }
0x92: {  	s4 =	sld [smem:$0x3FD0];
	(tm) =	ssettm $0x1  }
0x93: {  	s5 =	sld [smem:$0x3FFB];
	_ =	sdelay $0x3  }
0x94: {  	_ =	strace s5  }
0x95: {  	s5 =	sld [smem:$0x3FFC];
	_ =	sdelay $0x3  }
0x96: {  	_ =	strace s5  }
0x97: {  	s5 =	sld [smem:$0x3FFD];
	_ =	sdelay $0x3  }
0x98: {  	_ =	strace s5  }
0x99: {  	_ =	strace $0x8FFFFFFF  }
0x9a: {  	s20 =	sld [smem:$0x3FDB];
	_ =	sdelay $0x1  }
0x9b: {  	s6 =	simm.s32 $_scs_section_size  }
0x9c: {  	s7 =	simm.s32 $_size__tile_overlayer_lowered;
	s8 =	simm.s32 $_tile_overlayer_lowered  }
0x9d: {  	s23 =	simm.s32 $0x1BFF;
	s22 =	sshll.u32 s8, $0x1;
	s5 =	sadd.s32 s6, s20  }
0x9e: {  	s9 =	simm.s32 $0x0;
	s21 =	sshll.u32 s7, $0x1;
	s7 =	sadd.s32 s22, s5  }
0x9f: {  	[timem:s9], [sflag:s23] =	dma.local [hbm:s7], s21  }
0xa0: {  	_ =	swait.ge [sflag:s23], s21  }
0xa1: {  	s6 =	ssub.s32 $0x0, s21;
	[sflag:s23] =	ssyncset.done $0x0  }
0xa2: {  	[sflag:s23] =	ssyncadd.s32 s6;
	_ =	sdelay $0x1  }
0xa3: {  	s24 =	simm.s32 $0x1B8B  }
0xa4: {  	_ =	swait.ge [sflag:s24], $0x1  }
0xa5: {  	[sflag:s24] =	ssyncset.done $0x0  }
0xa6: {  	s25 =	simm.s32 $0x1B8E;
	[sflag:s24] =	ssyncadd.s32 $0xFFFFFFFF  }
0xa7: {  	s26 =	simm.s32 $execute0_lowered;
	[smem:$0x3FD2] =	sst s25  }
0xa8: {  	s6 =	sshll.u32 s26, $0x1;
	_ =	strace $0x80000046;
	[dreg:$0x1] =	wrdreg $0xFFFFFFFF  }
0xa9: {  	s28 =	simm.s32 $_size_execute0_lowered;
	s5 =	sadd.s32 s5, s6;
	[dreg:$0x0] =	wrdreg $0x0  }
0xaa: {  	s6 =	sshll.u32 s28, $0x1;
	[dreg:$0x2] =	wrdreg s5  }
0xab: {  	[dreg:$0x3] =	wrdreg s6  }
0xac: {  	[dreg:$0x4] =	wrdreg $0xC0  }
0xad: {  	_ =	task [dreg:s9], $0x5FFFF  }
0xae: {  	[dreg:$0x1] =	wrdreg $0xFFFFFFFF  }
0xaf: {  	[dreg:$0x0] =	wrdreg $0x60  }
0xb0: {  	[dreg:$0x2] =	wrdreg s2  }
0xb1: {  	[dreg:$0x3] =	wrdreg s19  }
0xb2: {  	[dreg:$0x4] =	wrdreg s4  }
0xb3: {  	[dreg:$0x5] =	wrdreg $0x9  }
0xb4: {  	_ =	task.clear_ibuf [dreg:s9], $0x6FFFF;
	_ =	strace $0x90000046  }
0xb5: {  	s29 =	simm.s32 $0x9;
	_ =	strace $0x80000048  }
0xb6: {  	_ =	swait.ge [sflag:s29], $0x1  }
0xb7: {  	[sflag:s29] =	ssyncadd.s32 $0xFFFFFFFF  }
0xb8: {  	_ =	strace $0x90000048  }
0xb9: {  	_ =	sfence  }
0xba: {  	s30 =	sld [smem:$0x0];
	_ =	sdelay $0x2  }
0xbb: {  	s31 =	sshll.u32 s1, $0xD;
	s1 =	sshrl.u32 s1, $0x2  }
0xbc: {  	s3 =	sand.u32 $0x4000, s31;
	s1 =	sadd.s32 s1, s30  }
0xbd: {  	s0 =	sor.u32 s3, s0;
	s1 =	sshll.u32 s1, $0x11  }
0xbe: {  	s0 =	sor.u32 s1, s0  }
0xbf: {  	s0 =	sadd.s32 $0x8F2B, s0  }
0xc0: {  	[sflag:s0] =	ssyncadd.remote.s32 $0x1  }
0xc1: {  	_ =	sfence.sel $0xFFFF  }
0xc2: {  	[dreg:$0x0] =	wrdreg $0xFFFFFFFF;
	(pc) =	sbr.abs _section_cstart, $3  }
0xc3: {  	[dreg:$0x1] =	wrdreg $0xFFFFFFFF  }
0xc4: {  	_ =	task.clear_ibuf [dreg:s9], $0x2FFFF;
	_ =	strace $0x9FFFFFFF  }
0xc5: {  	(tm) =	ssettm $0x7FFFFFFF  }
tec
execute0_lowered:
.L_overlay_start_1:
0x0: {  	(tag) =	ssettag $0x1  }
0x1: {  	s0 =	rddreg [dreg:$0x0]  }
0x2: {  	s2 =	rddreg [dreg:$0x1]  }
0x3: {  	s1 =	srdreg.scid;
	s3 =	stileid.u32  }
0x4: {  	s12 =	rddreg [dreg:$0x2];
	s21 =	simm.s32 $0x4;
	s22 =	simm.s32 $0x2000  }
0x5: {  	s23 =	simm.s32 $0x400;
	s24 =	simm.s32 $0xC400;
	s25 =	simm.s32 $0x2400  }
0x6: {  	s26 =	simm.s32 $0xE400;
	s16 =	simm.s32 $0x1;
	s17 =	simm.s32 $0x2  }
0x7: {  	s18 =	simm.s32 $0x3;
	s1 =	sand.u32 $0x1, s1;
	s3 =	sshll.u32 s3, $0x1  }
0x8: {  	s20 =	simm.s32 $0x5;
	s28 =	simm.s32 $0x0;
	s11 =	sor.u32 s1, s3  }
0x9: {  	s3 =	simm.s32 $0x0;
	s1 =	ssub.s32 $0x2, s1;
	s4 =	sshll.u32 s11, $0x7  }
0xa: {  	[smem:$0x7FF] =	sst s3;
	s5 =	sshrl.u32 s1, $0x1;
	s31 =	sshll.u32 s11, $0x6  }
0xb: {  	s4 =	sadd.s32 s0, s4;
	_ =	strace $0x80000047;
	s30 =	ssub.s32 s1, s5  }
0xc: {  	s12 =	sadd.s32 s12, s31;
	s5 =	sadd.s32 $0x10, s4;
	s6 =	sadd.s32 $0x20, s4  }
0xd: {  	s7 =	sadd.s32 $0x30, s4;
	s8 =	sadd.s32 $0x40, s4;
	s9 =	sadd.s32 $0x50, s4  }
0xe: {  	s10 =	sadd.s32 $0x60, s4;
	s11 =	sadd.s32 $0x70, s4;
	s13 =	smax.u32 s30, $0x1  }
.LBB2_1:
0xf: {  	[tilespmem:s3], [sflag:$0x4] =	stream.linear.gather [hbm4b:s4+s3], $0x80, $0x38;
	[tilespmem:$0x18600] =	vst v63  }
0x10: {  	s0 =	simm.s32 $0x200  }
0x11: {  	[tilespmem:s0], [sflag:$0x4] =	stream.linear.gather [hbm4b:s5+s3], $0x80, $0x38;
	[tilespmem:$0x18600] =	vst v63  }
0x12: {  	s1 =	simm.s32 $0x80  }
0x13: {  	[tilespmem:s1], [sflag:$0x4] =	stream.linear.gather [hbm4b:s6+s3], $0x80, $0x38;
	[tilespmem:$0x18600] =	vst v63  }
0x14: {  	s14 =	simm.s32 $0x280  }
0x15: {  	[tilespmem:s14], [sflag:$0x4] =	stream.linear.gather [hbm4b:s7+s3], $0x80, $0x38;
	[tilespmem:$0x18600] =	vst v63  }
0x16: {  	s15 =	simm.s32 $0x100  }
0x17: {  	[tilespmem:s15], [sflag:$0x4] =	stream.linear.gather [hbm4b:s8+s3], $0x80, $0x38;
	[tilespmem:$0x18600] =	vst v63  }
0x18: {  	s19 =	simm.s32 $0x300  }
0x19: {  	[tilespmem:s19], [sflag:$0x4] =	stream.linear.gather [hbm4b:s9+s3], $0x80, $0x38;
	[tilespmem:$0x18600] =	vst v63  }
0x1a: {  	s29 =	simm.s32 $0x180  }
0x1b: {  	[tilespmem:s29], [sflag:$0x4] =	stream.linear.gather [hbm4b:s10+s3], $0x80, $0x38;
	[tilespmem:$0x18600] =	vst v63  }
0x1c: {  	s30 =	simm.s32 $0x380  }
0x1d: {  	[tilespmem:s30], [sflag:$0x4] =	stream.linear.gather [hbm4b:s11+s3], $0x80, $0x38;
	[tilespmem:$0x18600] =	vst v63  }
0x1e: {  	_ =	swait.ge [sflag:s21], $0x80  }
0x1f: {  	[sflag:s21] =	ssyncset.done $0x0  }
0x20: {  	[sflag:s21] =	ssyncadd.s32 $0xFFFFFF80  }
0x21: {  	_ =	swait.ge [sflag:s21], $0x80  }
0x22: {  	[sflag:s21] =	ssyncset.done $0x0  }
0x23: {  	[sflag:s21] =	ssyncadd.s32 $0xFFFFFF80  }
0x24: {  	_ =	swait.ge [sflag:s21], $0x80  }
0x25: {  	[sflag:s21] =	ssyncset.done $0x0  }
0x26: {  	[sflag:s21] =	ssyncadd.s32 $0xFFFFFF80  }
0x27: {  	_ =	swait.ge [sflag:s21], $0x80  }
0x28: {  	[sflag:s21] =	ssyncset.done $0x0  }
0x29: {  	[sflag:s21] =	ssyncadd.s32 $0xFFFFFF80  }
0x2a: {  	_ =	swait.ge [sflag:s21], $0x80  }
0x2b: {  	[sflag:s21] =	ssyncset.done $0x0  }
0x2c: {  	[sflag:s21] =	ssyncadd.s32 $0xFFFFFF80  }
0x2d: {  	_ =	swait.ge [sflag:s21], $0x80  }
0x2e: {  	[sflag:s21] =	ssyncset.done $0x0  }
0x2f: {  	[sflag:s21] =	ssyncadd.s32 $0xFFFFFF80  }
0x30: {  	_ =	swait.ge [sflag:s21], $0x80  }
0x31: {  	[sflag:s21] =	ssyncset.done $0x0  }
0x32: {  	[sflag:s21] =	ssyncadd.s32 $0xFFFFFF80  }
0x33: {  	_ =	swait.ge [sflag:s21], $0x80  }
0x34: {  	s31 =	simm.s32 $0x0;
	[sflag:s21] =	ssyncset.done $0x0  }
0x35: {  	s0 =	simm.s32 $0x2440;
	s14 =	simm.s32 $0x440;
	[sflag:s21] =	ssyncadd.s32 $0xFFFFFF80  }
.LBB2_2:
0x36: {  	s1 =	sshll.u32 s31, $0x4  }
0x37: {  	v0 =	vld [tilespmem:s1+$0x0]  }
0x38: {  	v1 =	vld [tilespmem:s1+$0x200];
	_ =	sdelay $0x4  }
0x39: {  	v1 =	vadd.s32 $0xF4240, v1;
	v2 =	vshll.u32 v0, $0x3  }
0x3a: {  	v0 =	vand.u32 $0x7F, v0;
	v2 =	vand.u32 $0xFFFFFC00, v2;
	v3 =	vshll.u32 v1, $0x3  }
0x3b: {  	s15 =	simm.s32 $0x0;
	v1 =	vand.u32 $0x7F, v1;
	v0 =	vor.u32 v0, v2;
	v2 =	vand.u32 $0xFFFFFC00, v3  }
0x3c: {  	v1 =	vor.u32 v1, v2;
	v2 =	vadd.s32 s15, v0  }
0x3d: {  	s19 =	simm.s32 $0x80;
	[tilespmem:s14+$0xFFFFFFC0] =	vst v2;
	v2 =	vadd.s32 s15, v1  }
0x3e: {  	[tilespmem:s0+$0xFFFFFFC0] =	vst v2;
	v2 =	vadd.s32 s19, v0  }
0x3f: {  	s15 =	simm.s32 $0x100;
	[tilespmem:s14+$0xFFFFFFD0] =	vst v2;
	v2 =	vadd.s32 s19, v1  }
0x40: {  	[tilespmem:s0+$0xFFFFFFD0] =	vst v2;
	v2 =	vadd.s32 s15, v0  }
0x41: {  	s19 =	simm.s32 $0x180;
	[tilespmem:s14+$0xFFFFFFE0] =	vst v2;
	v2 =	vadd.s32 s15, v1  }
0x42: {  	[tilespmem:s0+$0xFFFFFFE0] =	vst v2;
	v2 =	vadd.s32 s19, v0  }
0x43: {  	s15 =	simm.s32 $0x200;
	[tilespmem:s14+$0xFFFFFFF0] =	vst v2;
	v2 =	vadd.s32 s19, v1  }
0x44: {  	[tilespmem:s0+$0xFFFFFFF0] =	vst v2;
	v2 =	vadd.s32 s15, v0  }
0x45: {  	s19 =	simm.s32 $0x280;
	[tilespmem:s14+$0x0] =	vst v2;
	v2 =	vadd.s32 s15, v1  }
0x46: {  	[tilespmem:s0+$0x0] =	vst v2;
	v2 =	vadd.s32 s19, v0  }
0x47: {  	s15 =	simm.s32 $0x300;
	[tilespmem:s14+$0x10] =	vst v2;
	v2 =	vadd.s32 s19, v1  }
0x48: {  	[tilespmem:s0+$0x10] =	vst v2;
	v2 =	vadd.s32 s15, v0  }
0x49: {  	s1 =	simm.s32 $0x380;
	[tilespmem:s14+$0x20] =	vst v2;
	v2 =	vadd.s32 s15, v1  }
0x4a: {  	s30 =	smov.u32 s14;
	s29 =	smov.u32 s0;
	s15 =	simm.s32 $0xF42780;
	[tilespmem:s0+$0x20] =	vst v2;
	v2 =	vadd.s32 s1, v0  }
.LBB2_3:
0x4b: {  	s19 =	sadd.s32 $0xFFFFFC80, s15;
	p0 =	sne.s32 s15, $0x6ACFF80;
	[tilespmem:s30+$0x30] =	vst v2;
	v2 =	vadd.s32 s1, v1;
	s1 =	smov.u32 s15  }
0x4c: {  	s30 =	sadd.s32 $0x80, s30;
	v3 =	vadd.s32 s19, v0;
	[tilespmem:s29+$0x30] =	vst v2  }
0x4d: {  	v2 =	vadd.s32 s19, v1;
	s19 =	sadd.s32 $0xFFFFFD00, s15;
	s29 =	sadd.s32 $0x80, s29;
	[tilespmem:s30+$0xFFFFFFC0] =	vst v3  }
0x4e: {  	[tilespmem:s29+$0xFFFFFFC0] =	vst v2;
	v2 =	vadd.s32 s19, v0  }
0x4f: {  	[tilespmem:s30+$0xFFFFFFD0] =	vst v2;
	v2 =	vadd.s32 s19, v1;
	s19 =	sadd.s32 $0xFFFFFD80, s15  }
0x50: {  	[tilespmem:s29+$0xFFFFFFD0] =	vst v2;
	v2 =	vadd.s32 s19, v0  }
0x51: {  	[tilespmem:s30+$0xFFFFFFE0] =	vst v2;
	v2 =	vadd.s32 s19, v1;
	s19 =	sadd.s32 $0xFFFFFE00, s15  }
0x52: {  	[tilespmem:s29+$0xFFFFFFE0] =	vst v2;
	v2 =	vadd.s32 s19, v0  }
0x53: {  	[tilespmem:s30+$0xFFFFFFF0] =	vst v2;
	v2 =	vadd.s32 s19, v1;
	s19 =	sadd.s32 $0xFFFFFE80, s15  }
0x54: {  	[tilespmem:s29+$0xFFFFFFF0] =	vst v2;
	v2 =	vadd.s32 s19, v0  }
0x55: {  	[tilespmem:s30+$0x0] =	vst v2;
	v2 =	vadd.s32 s19, v1;
	s19 =	sadd.s32 $0xFFFFFF00, s15  }
.Ltmp0:
0x56: {  	[tilespmem:s29+$0x0] =	vst v2;
	v2 =	vadd.s32 s19, v0;
	(pc) =	sbr.rel @p0 .LBB2_3-.Ltmp0, $4  }
0x57: {  	[tilespmem:s30+$0x10] =	vst v2;
	v2 =	vadd.s32 s19, v1;
	s19 =	sadd.s32 $0xFFFFFF80, s15  }
0x58: {  	[tilespmem:s29+$0x10] =	vst v2;
	v2 =	vadd.s32 s19, v0  }
0x59: {  	[tilespmem:s30+$0x20] =	vst v2;
	v2 =	vadd.s32 s19, v1  }
0x5a: {  	s15 =	sadd.s32 $0xF42400, s15;
	[tilespmem:s29+$0x20] =	vst v2;
	v2 =	vadd.s32 s1, v0  }
0x5b: {  	s31 =	sadd.s32 $0x1, s31  }
0x5c: {  	p0 =	sne.s32 s31, $0x8  }
.Ltmp1:
0x5d: {  	_ = 	snop;
	(pc) =	sbr.rel @p0 .LBB2_2-.Ltmp1, $3  }
0x5e: {  	_ =	sdelay $0x1  }
0x5f: {  	[tilespmem:s30+$0x30] =	vst v2;
	v0 =	vadd.s32 s1, v1  }
0x60: {  	s0 =	sadd.s32 $0x400, s0;
	s14 =	sadd.s32 $0x400, s14;
	[tilespmem:s29+$0x30] =	vst v0  }
0x61: {  	[tilespmem:s24], [sflag:$0x1] =	stream.indirect.gather [hbm4b:s2+s22], $0x1, s23, s22, $0xb8;
	[tilespmem:$0x18600] =	vst v63  }
0x62: {  	s29 =	simm.s32 $0x0;
	s30 =	simm.s32 $0x6440;
	s31 =	simm.s32 $0x4440  }
0x63: {  	[tilespmem:s26], [sflag:$0x1] =	stream.indirect.gather [hbm4b:s2+s22], $0x1, s25, s22, $0xb8;
	[tilespmem:$0x18600] =	vst v63  }
.LBB2_6:
0x64: {  	s0 =	sshll.u32 s29, $0x4  }
0x65: {  	v0 =	vld [tilespmem:s0+$0x80]  }
0x66: {  	v1 =	vld [tilespmem:s0+$0x280];
	_ =	sdelay $0x4  }
0x67: {  	v1 =	vadd.s32 $0xF4240, v1;
	v2 =	vshll.u32 v0, $0x3  }
0x68: {  	v0 =	vand.u32 $0x7F, v0;
	v2 =	vand.u32 $0xFFFFFC00, v2;
	v3 =	vshll.u32 v1, $0x3  }
0x69: {  	s14 =	simm.s32 $0x0;
	v1 =	vand.u32 $0x7F, v1;
	v0 =	vor.u32 v0, v2;
	v2 =	vand.u32 $0xFFFFFC00, v3  }
0x6a: {  	v1 =	vor.u32 v1, v2;
	v2 =	vadd.s32 s14, v0  }
0x6b: {  	s15 =	simm.s32 $0x80;
	[tilespmem:s31+$0xFFFFFFC0] =	vst v2;
	v2 =	vadd.s32 s14, v1  }
0x6c: {  	[tilespmem:s30+$0xFFFFFFC0] =	vst v2;
	v2 =	vadd.s32 s15, v0  }
0x6d: {  	s19 =	simm.s32 $0x100;
	[tilespmem:s31+$0xFFFFFFD0] =	vst v2;
	v2 =	vadd.s32 s15, v1  }
0x6e: {  	[tilespmem:s30+$0xFFFFFFD0] =	vst v2;
	v2 =	vadd.s32 s19, v0  }
0x6f: {  	s1 =	simm.s32 $0x180;
	[tilespmem:s31+$0xFFFFFFE0] =	vst v2;
	v2 =	vadd.s32 s19, v1  }
0x70: {  	[tilespmem:s30+$0xFFFFFFE0] =	vst v2;
	v2 =	vadd.s32 s1, v0  }
0x71: {  	s14 =	simm.s32 $0x200;
	[tilespmem:s31+$0xFFFFFFF0] =	vst v2;
	v2 =	vadd.s32 s1, v1  }
0x72: {  	[tilespmem:s30+$0xFFFFFFF0] =	vst v2;
	v2 =	vadd.s32 s14, v0  }
0x73: {  	s15 =	simm.s32 $0x280;
	[tilespmem:s31+$0x0] =	vst v2;
	v2 =	vadd.s32 s14, v1  }
0x74: {  	[tilespmem:s30+$0x0] =	vst v2;
	v2 =	vadd.s32 s15, v0  }
0x75: {  	s19 =	simm.s32 $0x300;
	[tilespmem:s31+$0x10] =	vst v2;
	v2 =	vadd.s32 s15, v1  }
0x76: {  	[tilespmem:s30+$0x10] =	vst v2;
	v2 =	vadd.s32 s19, v0  }
0x77: {  	s1 =	simm.s32 $0x380;
	[tilespmem:s31+$0x20] =	vst v2;
	v2 =	vadd.s32 s19, v1  }
0x78: {  	s0 =	smov.u32 s30;
	s14 =	smov.u32 s31;
	s15 =	simm.s32 $0xF42780;
	[tilespmem:s30+$0x20] =	vst v2;
	v2 =	vadd.s32 s1, v0  }
.LBB2_7:
0x79: {  	s19 =	sadd.s32 $0xFFFFFC80, s15;
	p0 =	sne.s32 s15, $0x6ACFF80;
	[tilespmem:s14+$0x30] =	vst v2;
	v2 =	vadd.s32 s1, v1;
	s1 =	smov.u32 s15  }
0x7a: {  	s14 =	sadd.s32 $0x80, s14;
	v3 =	vadd.s32 s19, v0;
	[tilespmem:s0+$0x30] =	vst v2  }
0x7b: {  	v2 =	vadd.s32 s19, v1;
	s19 =	sadd.s32 $0xFFFFFD00, s15;
	s0 =	sadd.s32 $0x80, s0;
	[tilespmem:s14+$0xFFFFFFC0] =	vst v3  }
0x7c: {  	[tilespmem:s0+$0xFFFFFFC0] =	vst v2;
	v2 =	vadd.s32 s19, v0  }
0x7d: {  	[tilespmem:s14+$0xFFFFFFD0] =	vst v2;
	v2 =	vadd.s32 s19, v1;
	s19 =	sadd.s32 $0xFFFFFD80, s15  }
0x7e: {  	[tilespmem:s0+$0xFFFFFFD0] =	vst v2;
	v2 =	vadd.s32 s19, v0  }
0x7f: {  	[tilespmem:s14+$0xFFFFFFE0] =	vst v2;
	v2 =	vadd.s32 s19, v1;
	s19 =	sadd.s32 $0xFFFFFE00, s15  }
0x80: {  	[tilespmem:s0+$0xFFFFFFE0] =	vst v2;
	v2 =	vadd.s32 s19, v0  }
0x81: {  	[tilespmem:s14+$0xFFFFFFF0] =	vst v2;
	v2 =	vadd.s32 s19, v1;
	s19 =	sadd.s32 $0xFFFFFE80, s15  }
0x82: {  	[tilespmem:s0+$0xFFFFFFF0] =	vst v2;
	v2 =	vadd.s32 s19, v0  }
0x83: {  	[tilespmem:s14+$0x0] =	vst v2;
	v2 =	vadd.s32 s19, v1;
	s19 =	sadd.s32 $0xFFFFFF00, s15  }
.Ltmp2:
0x84: {  	[tilespmem:s0+$0x0] =	vst v2;
	v2 =	vadd.s32 s19, v0;
	(pc) =	sbr.rel @p0 .LBB2_7-.Ltmp2, $4  }
0x85: {  	[tilespmem:s14+$0x10] =	vst v2;
	v2 =	vadd.s32 s19, v1;
	s19 =	sadd.s32 $0xFFFFFF80, s15  }
0x86: {  	[tilespmem:s0+$0x10] =	vst v2;
	v2 =	vadd.s32 s19, v0  }
0x87: {  	[tilespmem:s14+$0x20] =	vst v2;
	v2 =	vadd.s32 s19, v1  }
0x88: {  	s15 =	sadd.s32 $0xF42400, s15;
	[tilespmem:s0+$0x20] =	vst v2;
	v2 =	vadd.s32 s1, v0  }
0x89: {  	s29 =	sadd.s32 $0x1, s29  }
0x8a: {  	p0 =	sne.s32 s29, $0x8  }
.Ltmp3:
0x8b: {  	_ = 	snop;
	(pc) =	sbr.rel @p0 .LBB2_6-.Ltmp3, $3  }
0x8c: {  	_ =	sdelay $0x1  }
0x8d: {  	[tilespmem:s14+$0x30] =	vst v2;
	v0 =	vadd.s32 s1, v1  }
0x8e: {  	s30 =	sadd.s32 $0x400, s30;
	s31 =	sadd.s32 $0x400, s31;
	[tilespmem:s0+$0x30] =	vst v0  }
0x8f: {  	s0 =	simm.s32 $0x4400  }
0x90: {  	s1 =	simm.s32 $0x10400;
	s15 =	simm.s32 $0x6400;
	s19 =	simm.s32 $0x12400  }
0x91: {  	[tilespmem:s1], [sflag:$0x2] =	stream.indirect.gather [hbm4b:s2+s22], $0x1, s0, s22, $0xb8;
	[tilespmem:$0x18600] =	vst v63  }
0x92: {  	s29 =	simm.s32 $0x0;
	s30 =	simm.s32 $0xA440;
	s31 =	simm.s32 $0x8440  }
0x93: {  	[tilespmem:s19], [sflag:$0x2] =	stream.indirect.gather [hbm4b:s2+s22], $0x1, s15, s22, $0xb8;
	[tilespmem:$0x18600] =	vst v63  }
.LBB2_10:
0x94: {  	s0 =	sshll.u32 s29, $0x4  }
0x95: {  	v0 =	vld [tilespmem:s0+$0x100]  }
0x96: {  	v1 =	vld [tilespmem:s0+$0x300];
	_ =	sdelay $0x4  }
0x97: {  	v1 =	vadd.s32 $0xF4240, v1;
	v2 =	vshll.u32 v0, $0x3  }
0x98: {  	v0 =	vand.u32 $0x7F, v0;
	v2 =	vand.u32 $0xFFFFFC00, v2;
	v3 =	vshll.u32 v1, $0x3  }
0x99: {  	s14 =	simm.s32 $0x0;
	v1 =	vand.u32 $0x7F, v1;
	v0 =	vor.u32 v0, v2;
	v2 =	vand.u32 $0xFFFFFC00, v3  }
0x9a: {  	v1 =	vor.u32 v1, v2;
	v2 =	vadd.s32 s14, v0  }
0x9b: {  	s15 =	simm.s32 $0x80;
	[tilespmem:s31+$0xFFFFFFC0] =	vst v2;
	v2 =	vadd.s32 s14, v1  }
0x9c: {  	[tilespmem:s30+$0xFFFFFFC0] =	vst v2;
	v2 =	vadd.s32 s15, v0  }
0x9d: {  	s19 =	simm.s32 $0x100;
	[tilespmem:s31+$0xFFFFFFD0] =	vst v2;
	v2 =	vadd.s32 s15, v1  }
0x9e: {  	[tilespmem:s30+$0xFFFFFFD0] =	vst v2;
	v2 =	vadd.s32 s19, v0  }
0x9f: {  	s1 =	simm.s32 $0x180;
	[tilespmem:s31+$0xFFFFFFE0] =	vst v2;
	v2 =	vadd.s32 s19, v1  }
0xa0: {  	[tilespmem:s30+$0xFFFFFFE0] =	vst v2;
	v2 =	vadd.s32 s1, v0  }
0xa1: {  	s14 =	simm.s32 $0x200;
	[tilespmem:s31+$0xFFFFFFF0] =	vst v2;
	v2 =	vadd.s32 s1, v1  }
0xa2: {  	[tilespmem:s30+$0xFFFFFFF0] =	vst v2;
	v2 =	vadd.s32 s14, v0  }
0xa3: {  	s15 =	simm.s32 $0x280;
	[tilespmem:s31+$0x0] =	vst v2;
	v2 =	vadd.s32 s14, v1  }
0xa4: {  	[tilespmem:s30+$0x0] =	vst v2;
	v2 =	vadd.s32 s15, v0  }
0xa5: {  	s19 =	simm.s32 $0x300;
	[tilespmem:s31+$0x10] =	vst v2;
	v2 =	vadd.s32 s15, v1  }
0xa6: {  	[tilespmem:s30+$0x10] =	vst v2;
	v2 =	vadd.s32 s19, v0  }
0xa7: {  	s1 =	simm.s32 $0x380;
	[tilespmem:s31+$0x20] =	vst v2;
	v2 =	vadd.s32 s19, v1  }
0xa8: {  	s0 =	smov.u32 s30;
	s14 =	smov.u32 s31;
	s15 =	simm.s32 $0xF42780;
	[tilespmem:s30+$0x20] =	vst v2;
	v2 =	vadd.s32 s1, v0  }
.LBB2_11:
0xa9: {  	s19 =	sadd.s32 $0xFFFFFC80, s15;
	p0 =	sne.s32 s15, $0x6ACFF80;
	[tilespmem:s14+$0x30] =	vst v2;
	v2 =	vadd.s32 s1, v1;
	s1 =	smov.u32 s15  }
0xaa: {  	s14 =	sadd.s32 $0x80, s14;
	v3 =	vadd.s32 s19, v0;
	[tilespmem:s0+$0x30] =	vst v2  }
0xab: {  	v2 =	vadd.s32 s19, v1;
	s19 =	sadd.s32 $0xFFFFFD00, s15;
	s0 =	sadd.s32 $0x80, s0;
	[tilespmem:s14+$0xFFFFFFC0] =	vst v3  }
0xac: {  	[tilespmem:s0+$0xFFFFFFC0] =	vst v2;
	v2 =	vadd.s32 s19, v0  }
0xad: {  	[tilespmem:s14+$0xFFFFFFD0] =	vst v2;
	v2 =	vadd.s32 s19, v1;
	s19 =	sadd.s32 $0xFFFFFD80, s15  }
0xae: {  	[tilespmem:s0+$0xFFFFFFD0] =	vst v2;
	v2 =	vadd.s32 s19, v0  }
0xaf: {  	[tilespmem:s14+$0xFFFFFFE0] =	vst v2;
	v2 =	vadd.s32 s19, v1;
	s19 =	sadd.s32 $0xFFFFFE00, s15  }
0xb0: {  	[tilespmem:s0+$0xFFFFFFE0] =	vst v2;
	v2 =	vadd.s32 s19, v0  }
0xb1: {  	[tilespmem:s14+$0xFFFFFFF0] =	vst v2;
	v2 =	vadd.s32 s19, v1;
	s19 =	sadd.s32 $0xFFFFFE80, s15  }
0xb2: {  	[tilespmem:s0+$0xFFFFFFF0] =	vst v2;
	v2 =	vadd.s32 s19, v0  }
0xb3: {  	[tilespmem:s14+$0x0] =	vst v2;
	v2 =	vadd.s32 s19, v1;
	s19 =	sadd.s32 $0xFFFFFF00, s15  }
.Ltmp4:
0xb4: {  	[tilespmem:s0+$0x0] =	vst v2;
	v2 =	vadd.s32 s19, v0;
	(pc) =	sbr.rel @p0 .LBB2_11-.Ltmp4, $4  }
0xb5: {  	[tilespmem:s14+$0x10] =	vst v2;
	v2 =	vadd.s32 s19, v1;
	s19 =	sadd.s32 $0xFFFFFF80, s15  }
0xb6: {  	[tilespmem:s0+$0x10] =	vst v2;
	v2 =	vadd.s32 s19, v0  }
0xb7: {  	[tilespmem:s14+$0x20] =	vst v2;
	v2 =	vadd.s32 s19, v1  }
0xb8: {  	s15 =	sadd.s32 $0xF42400, s15;
	[tilespmem:s0+$0x20] =	vst v2;
	v2 =	vadd.s32 s1, v0  }
0xb9: {  	s29 =	sadd.s32 $0x1, s29  }
0xba: {  	p0 =	sne.s32 s29, $0x8  }
.Ltmp5:
0xbb: {  	_ = 	snop;
	(pc) =	sbr.rel @p0 .LBB2_10-.Ltmp5, $3  }
0xbc: {  	_ =	sdelay $0x1  }
0xbd: {  	[tilespmem:s14+$0x30] =	vst v2;
	v0 =	vadd.s32 s1, v1  }
0xbe: {  	s30 =	sadd.s32 $0x400, s30;
	s31 =	sadd.s32 $0x400, s31;
	[tilespmem:s0+$0x30] =	vst v0  }
0xbf: {  	s0 =	simm.s32 $0x8400;
	s1 =	simm.s32 $0x14400  }
0xc0: {  	[tilespmem:s1], [sflag:$0x3] =	stream.indirect.gather [hbm4b:s2+s22], $0x1, s0, s22, $0xb8;
	[tilespmem:$0x18600] =	vst v63  }
0xc1: {  	s15 =	simm.s32 $0xA400;
	s19 =	simm.s32 $0x16400  }
0xc2: {  	[tilespmem:s19], [sflag:$0x3] =	stream.indirect.gather [hbm4b:s2+s22], $0x1, s15, s22, $0xb8;
	[tilespmem:$0x18600] =	vst v63  }
0xc3: {  	_ =	swait.ge [sflag:s16], $0x2000  }
0xc4: {  	[sflag:s16] =	ssyncset.done $0x0  }
0xc5: {  	[sflag:s16] =	ssyncadd.s32 $0xFFFFE000  }
0xc6: {  	_ =	swait.ge [sflag:s16], $0x2000  }
0xc7: {  	s29 =	simm.s32 $0x0;
	[sflag:s16] =	ssyncset.done $0x0  }
0xc8: {  	s30 =	simm.s32 $0xC420;
	s31 =	simm.s32 $0xE430;
	[sflag:s16] =	ssyncadd.s32 $0xFFFFE000  }
.LBB2_14:
0xc9: {  	v1 =	vmov s30  }
0xca: {  	v0 =	vmov s31;
	_ =	sdelay $0x2  }
0xcb: {  	s1 =	simm.s32 $0x0  }
0xcc: {  	v7 =	vld.idx.msk [tilespmem:v1+s1+$0xFFFFFFE0 ss:$0x1], $0xffff  }
0xcd: {  	v9 =	vld.idx.msk [tilespmem:v0+s1+$0xFFFFFFD0 ss:$0x1], $0xffff  }
0xce: {  	v4 =	vld.idx.msk [tilespmem:v1+s1+$0xFFFFFFF0 ss:$0x1], $0xffff  }
0xcf: {  	v8 =	vld.idx.msk [tilespmem:v0+s1+$0xFFFFFFE0 ss:$0x1], $0xffff  }
0xd0: {  	v3 =	vld.idx.msk [tilespmem:v1+s1+$0x0 ss:$0x1], $0xffff  }
0xd1: {  	v5 =	vld.idx.msk [tilespmem:v0+s1+$0xFFFFFFF0 ss:$0x1], $0xffff  }
0xd2: {  	v2 =	vld.idx.msk [tilespmem:v1+s1+$0x10 ss:$0x1], $0xffff  }
0xd3: {  	s0 =	simm.s32 $0x40;
	v6 =	vld.idx.msk [tilespmem:v0+s1+$0x0 ss:$0x1], $0xffff;
	v9 =	vmul.f32 v9, v7  }
0xd4: {  	v10 =	vimm.f32 $0.0e+00;
	s1 =	simm.s32 $0x200;
	v7 =	vld.idx.msk [tilespmem:v1+s0+$0xFFFFFFE0 ss:$0x1], $0xffff  }
.LBB2_15:
0xd5: {  	p0 =	sne.s32 s1, $0xF00;
	v11 =	vld.idx.msk [tilespmem:v0+s0+$0xFFFFFFD0 ss:$0x1], $0xffff;
	v9 =	vadd.f32 v9, v10;
	v10 =	vmul.f32 v8, v4  }
0xd6: {  	v4 =	vld.idx.msk [tilespmem:v1+s0+$0xFFFFFFF0 ss:$0x1], $0xffff  }
0xd7: {  	v8 =	vld.idx.msk [tilespmem:v0+s0+$0xFFFFFFE0 ss:$0x1], $0xffff;
	v9 =	vadd.f32 v10, v9;
	v10 =	vmul.f32 v5, v3  }
.Ltmp6:
0xd8: {  	v3 =	vld.idx.msk [tilespmem:v1+s0+$0x0 ss:$0x1], $0xffff;
	(pc) =	sbr.rel @p0 .LBB2_15-.Ltmp6, $4  }
0xd9: {  	v12 =	vmul.f32 v6, v2;
	v5 =	vld.idx.msk [tilespmem:v0+s0+$0xFFFFFFF0 ss:$0x1], $0xffff;
	v10 =	vadd.f32 v10, v9  }
0xda: {  	v2 =	vld.idx.msk [tilespmem:v1+s0+$0x10 ss:$0x1], $0xffff  }
0xdb: {  	v9 =	vmul.f32 v11, v7;
	v6 =	vld.idx.msk [tilespmem:v0+s0+$0x0 ss:$0x1], $0xffff;
	s0 =	sshra.s32 s1, $0x2;
	v10 =	vadd.f32 v12, v10  }
0xdc: {  	s1 =	sadd.s32 $0x100, s1;
	v7 =	vld.idx.msk [tilespmem:v1+s0+$0xFFFFFFE0 ss:$0x1], $0xffff  }
0xdd: {  	_ =	sdelay $0x2  }
0xde: {  	v9 =	vadd.f32 v9, v10;
	v4 =	vmul.f32 v8, v4  }
0xdf: {  	v54 =	vld.idx.msk [tilespmem:v0+s0+$0xFFFFFFD0 ss:$0x1], $0xffff  }
0xe0: {  	v55 =	vld.idx.msk [tilespmem:v1+s0+$0xFFFFFFF0 ss:$0x1], $0xffff;
	v3 =	vmul.f32 v5, v3;
	v4 =	vadd.f32 v4, v9  }
0xe1: {  	v56 =	vld.idx.msk [tilespmem:v0+s0+$0xFFFFFFE0 ss:$0x1], $0xffff  }
0xe2: {  	v57 =	vld.idx.msk [tilespmem:v1+s0+$0x0 ss:$0x1], $0xffff;
	v2 =	vmul.f32 v6, v2;
	v3 =	vadd.f32 v3, v4  }
0xe3: {  	v58 =	vld.idx.msk [tilespmem:v0+s0+$0xFFFFFFF0 ss:$0x1], $0xffff  }
0xe4: {  	v59 =	vld.idx.msk [tilespmem:v1+s0+$0x10 ss:$0x1], $0xffff;
	v60 =	vmul.f32 v54, v7;
	v2 =	vadd.f32 v2, v3  }
0xe5: {  	v61 =	vld.idx.msk [tilespmem:v0+s0+$0x0 ss:$0x1], $0xffff  }
0xe6: {  	v62 =	vmul.f32 v56, v55;
	v2 =	vadd.f32 v60, v2;
	_ =	sdelay $0x1  }
0xe7: {  	s19 =	sshll.u32 s29, $0x4;
	s29 =	sadd.s32 $0x1, s29;
	v63 =	vmul.f32 v58, v57;
	v2 =	vadd.f32 v62, v2  }
0xe8: {  	p0 =	sne.s32 s29, $0x8  }
.Ltmp7:
0xe9: {  	v0 =	vmul.f32 v61, v59;
	v2 =	vadd.f32 v63, v2;
	(pc) =	sbr.rel @p0 .LBB2_14-.Ltmp7, $4  }
0xea: {  	_ = 	snop  }
0xeb: {  	v0 =	vadd.f32 v0, v2  }
0xec: {  	s0 =	sand.u32 $0x3FFFFFF0, s19  }
0xed: {  	s30 =	sadd.s32 $0x400, s30;
	s31 =	sadd.s32 $0x400, s31;
	[tilespmem:s0+$0x18400] =	vst v0  }
0xee: {  	s29 =	simm.s32 $0x0;
	s30 =	simm.s32 $0x2440;
	s31 =	simm.s32 $0x440  }
.LBB2_18:
0xef: {  	s0 =	sshll.u32 s29, $0x4  }
0xf0: {  	v0 =	vld [tilespmem:s0+$0x180]  }
0xf1: {  	v1 =	vld [tilespmem:s0+$0x380];
	_ =	sdelay $0x4  }
0xf2: {  	v1 =	vadd.s32 $0xF4240, v1;
	v2 =	vshll.u32 v0, $0x3  }
0xf3: {  	v0 =	vand.u32 $0x7F, v0;
	v2 =	vand.u32 $0xFFFFFC00, v2;
	v3 =	vshll.u32 v1, $0x3  }
0xf4: {  	s14 =	simm.s32 $0x0;
	v1 =	vand.u32 $0x7F, v1;
	v0 =	vor.u32 v0, v2;
	v2 =	vand.u32 $0xFFFFFC00, v3  }
0xf5: {  	v1 =	vor.u32 v1, v2;
	v2 =	vadd.s32 s14, v0  }
0xf6: {  	s15 =	simm.s32 $0x80;
	[tilespmem:s31+$0xFFFFFFC0] =	vst v2;
	v2 =	vadd.s32 s14, v1  }
0xf7: {  	[tilespmem:s30+$0xFFFFFFC0] =	vst v2;
	v2 =	vadd.s32 s15, v0  }
0xf8: {  	s19 =	simm.s32 $0x100;
	[tilespmem:s31+$0xFFFFFFD0] =	vst v2;
	v2 =	vadd.s32 s15, v1  }
0xf9: {  	[tilespmem:s30+$0xFFFFFFD0] =	vst v2;
	v2 =	vadd.s32 s19, v0  }
0xfa: {  	s1 =	simm.s32 $0x180;
	[tilespmem:s31+$0xFFFFFFE0] =	vst v2;
	v2 =	vadd.s32 s19, v1  }
0xfb: {  	[tilespmem:s30+$0xFFFFFFE0] =	vst v2;
	v2 =	vadd.s32 s1, v0  }
0xfc: {  	s14 =	simm.s32 $0x200;
	[tilespmem:s31+$0xFFFFFFF0] =	vst v2;
	v2 =	vadd.s32 s1, v1  }
0xfd: {  	[tilespmem:s30+$0xFFFFFFF0] =	vst v2;
	v2 =	vadd.s32 s14, v0  }
0xfe: {  	s15 =	simm.s32 $0x280;
	[tilespmem:s31+$0x0] =	vst v2;
	v2 =	vadd.s32 s14, v1  }
0xff: {  	[tilespmem:s30+$0x0] =	vst v2;
	v2 =	vadd.s32 s15, v0  }
0x100: {  	s19 =	simm.s32 $0x300;
	[tilespmem:s31+$0x10] =	vst v2;
	v2 =	vadd.s32 s15, v1  }
0x101: {  	[tilespmem:s30+$0x10] =	vst v2;
	v2 =	vadd.s32 s19, v0  }
0x102: {  	s1 =	simm.s32 $0x380;
	[tilespmem:s31+$0x20] =	vst v2;
	v2 =	vadd.s32 s19, v1  }
0x103: {  	s0 =	smov.u32 s30;
	s14 =	smov.u32 s31;
	s15 =	simm.s32 $0xF42780;
	[tilespmem:s30+$0x20] =	vst v2;
	v2 =	vadd.s32 s1, v0  }
.LBB2_19:
0x104: {  	s19 =	sadd.s32 $0xFFFFFC80, s15;
	p0 =	sne.s32 s15, $0x6ACFF80;
	[tilespmem:s14+$0x30] =	vst v2;
	v2 =	vadd.s32 s1, v1;
	s1 =	smov.u32 s15  }
0x105: {  	s14 =	sadd.s32 $0x80, s14;
	v3 =	vadd.s32 s19, v0;
	[tilespmem:s0+$0x30] =	vst v2  }
0x106: {  	v2 =	vadd.s32 s19, v1;
	s19 =	sadd.s32 $0xFFFFFD00, s15;
	s0 =	sadd.s32 $0x80, s0;
	[tilespmem:s14+$0xFFFFFFC0] =	vst v3  }
0x107: {  	[tilespmem:s0+$0xFFFFFFC0] =	vst v2;
	v2 =	vadd.s32 s19, v0  }
0x108: {  	[tilespmem:s14+$0xFFFFFFD0] =	vst v2;
	v2 =	vadd.s32 s19, v1;
	s19 =	sadd.s32 $0xFFFFFD80, s15  }
0x109: {  	[tilespmem:s0+$0xFFFFFFD0] =	vst v2;
	v2 =	vadd.s32 s19, v0  }
0x10a: {  	[tilespmem:s14+$0xFFFFFFE0] =	vst v2;
	v2 =	vadd.s32 s19, v1;
	s19 =	sadd.s32 $0xFFFFFE00, s15  }
0x10b: {  	[tilespmem:s0+$0xFFFFFFE0] =	vst v2;
	v2 =	vadd.s32 s19, v0  }
0x10c: {  	[tilespmem:s14+$0xFFFFFFF0] =	vst v2;
	v2 =	vadd.s32 s19, v1;
	s19 =	sadd.s32 $0xFFFFFE80, s15  }
0x10d: {  	[tilespmem:s0+$0xFFFFFFF0] =	vst v2;
	v2 =	vadd.s32 s19, v0  }
0x10e: {  	[tilespmem:s14+$0x0] =	vst v2;
	v2 =	vadd.s32 s19, v1;
	s19 =	sadd.s32 $0xFFFFFF00, s15  }
.Ltmp8:
0x10f: {  	[tilespmem:s0+$0x0] =	vst v2;
	v2 =	vadd.s32 s19, v0;
	(pc) =	sbr.rel @p0 .LBB2_19-.Ltmp8, $4  }
0x110: {  	[tilespmem:s14+$0x10] =	vst v2;
	v2 =	vadd.s32 s19, v1;
	s19 =	sadd.s32 $0xFFFFFF80, s15  }
0x111: {  	[tilespmem:s0+$0x10] =	vst v2;
	v2 =	vadd.s32 s19, v0  }
0x112: {  	[tilespmem:s14+$0x20] =	vst v2;
	v2 =	vadd.s32 s19, v1  }
0x113: {  	s15 =	sadd.s32 $0xF42400, s15;
	[tilespmem:s0+$0x20] =	vst v2;
	v2 =	vadd.s32 s1, v0  }
0x114: {  	s29 =	sadd.s32 $0x1, s29  }
0x115: {  	p0 =	sne.s32 s29, $0x8  }
.Ltmp9:
0x116: {  	_ = 	snop;
	(pc) =	sbr.rel @p0 .LBB2_18-.Ltmp9, $3  }
0x117: {  	_ =	sdelay $0x1  }
0x118: {  	[tilespmem:s14+$0x30] =	vst v2;
	v0 =	vadd.s32 s1, v1  }
0x119: {  	s30 =	sadd.s32 $0x400, s30;
	s31 =	sadd.s32 $0x400, s31;
	[tilespmem:s0+$0x30] =	vst v0  }
0x11a: {  	[tilespmem:s24], [sflag:$0x1] =	stream.indirect.gather [hbm4b:s2+s22], $0x1, s23, s22, $0xb8;
	[tilespmem:$0x18600] =	vst v63  }
0x11b: {  	_ = 	snop  }
0x11c: {  	[tilespmem:s26], [sflag:$0x1] =	stream.indirect.gather [hbm4b:s2+s22], $0x1, s25, s22, $0xb8;
	[tilespmem:$0x18600] =	vst v63  }
0x11d: {  	_ =	swait.ge [sflag:s17], $0x2000  }
0x11e: {  	[sflag:s17] =	ssyncset.done $0x0  }
0x11f: {  	[sflag:s17] =	ssyncadd.s32 $0xFFFFE000  }
0x120: {  	_ =	swait.ge [sflag:s17], $0x2000  }
0x121: {  	s29 =	simm.s32 $0x0;
	[sflag:s17] =	ssyncset.done $0x0  }
0x122: {  	s30 =	simm.s32 $0x10420;
	s31 =	simm.s32 $0x12430;
	[sflag:s17] =	ssyncadd.s32 $0xFFFFE000  }
.LBB2_22:
0x123: {  	v1 =	vmov s30  }
0x124: {  	v0 =	vmov s31;
	_ =	sdelay $0x2  }
0x125: {  	s1 =	simm.s32 $0x0  }
0x126: {  	v7 =	vld.idx.msk [tilespmem:v1+s1+$0xFFFFFFE0 ss:$0x1], $0xffff  }
0x127: {  	v9 =	vld.idx.msk [tilespmem:v0+s1+$0xFFFFFFD0 ss:$0x1], $0xffff  }
0x128: {  	v4 =	vld.idx.msk [tilespmem:v1+s1+$0xFFFFFFF0 ss:$0x1], $0xffff  }
0x129: {  	v8 =	vld.idx.msk [tilespmem:v0+s1+$0xFFFFFFE0 ss:$0x1], $0xffff  }
0x12a: {  	v3 =	vld.idx.msk [tilespmem:v1+s1+$0x0 ss:$0x1], $0xffff  }
0x12b: {  	v5 =	vld.idx.msk [tilespmem:v0+s1+$0xFFFFFFF0 ss:$0x1], $0xffff  }
0x12c: {  	v2 =	vld.idx.msk [tilespmem:v1+s1+$0x10 ss:$0x1], $0xffff  }
0x12d: {  	s0 =	simm.s32 $0x40;
	v6 =	vld.idx.msk [tilespmem:v0+s1+$0x0 ss:$0x1], $0xffff;
	v9 =	vmul.f32 v9, v7  }
0x12e: {  	v10 =	vimm.f32 $0.0e+00;
	s1 =	simm.s32 $0x200;
	v7 =	vld.idx.msk [tilespmem:v1+s0+$0xFFFFFFE0 ss:$0x1], $0xffff  }
.LBB2_23:
0x12f: {  	p0 =	sne.s32 s1, $0xF00;
	v11 =	vld.idx.msk [tilespmem:v0+s0+$0xFFFFFFD0 ss:$0x1], $0xffff;
	v9 =	vadd.f32 v9, v10;
	v10 =	vmul.f32 v8, v4  }
0x130: {  	v4 =	vld.idx.msk [tilespmem:v1+s0+$0xFFFFFFF0 ss:$0x1], $0xffff  }
0x131: {  	v8 =	vld.idx.msk [tilespmem:v0+s0+$0xFFFFFFE0 ss:$0x1], $0xffff;
	v9 =	vadd.f32 v10, v9;
	v10 =	vmul.f32 v5, v3  }
.Ltmp10:
0x132: {  	v3 =	vld.idx.msk [tilespmem:v1+s0+$0x0 ss:$0x1], $0xffff;
	(pc) =	sbr.rel @p0 .LBB2_23-.Ltmp10, $4  }
0x133: {  	v12 =	vmul.f32 v6, v2;
	v5 =	vld.idx.msk [tilespmem:v0+s0+$0xFFFFFFF0 ss:$0x1], $0xffff;
	v10 =	vadd.f32 v10, v9  }
0x134: {  	v2 =	vld.idx.msk [tilespmem:v1+s0+$0x10 ss:$0x1], $0xffff  }
0x135: {  	v9 =	vmul.f32 v11, v7;
	v6 =	vld.idx.msk [tilespmem:v0+s0+$0x0 ss:$0x1], $0xffff;
	s0 =	sshra.s32 s1, $0x2;
	v10 =	vadd.f32 v12, v10  }
0x136: {  	s1 =	sadd.s32 $0x100, s1;
	v7 =	vld.idx.msk [tilespmem:v1+s0+$0xFFFFFFE0 ss:$0x1], $0xffff  }
0x137: {  	_ =	sdelay $0x2  }
0x138: {  	v9 =	vadd.f32 v9, v10;
	v4 =	vmul.f32 v8, v4  }
0x139: {  	v54 =	vld.idx.msk [tilespmem:v0+s0+$0xFFFFFFD0 ss:$0x1], $0xffff  }
0x13a: {  	v55 =	vld.idx.msk [tilespmem:v1+s0+$0xFFFFFFF0 ss:$0x1], $0xffff;
	v3 =	vmul.f32 v5, v3;
	v4 =	vadd.f32 v4, v9  }
0x13b: {  	v56 =	vld.idx.msk [tilespmem:v0+s0+$0xFFFFFFE0 ss:$0x1], $0xffff  }
0x13c: {  	v57 =	vld.idx.msk [tilespmem:v1+s0+$0x0 ss:$0x1], $0xffff;
	v2 =	vmul.f32 v6, v2;
	v3 =	vadd.f32 v3, v4  }
0x13d: {  	v58 =	vld.idx.msk [tilespmem:v0+s0+$0xFFFFFFF0 ss:$0x1], $0xffff  }
0x13e: {  	v59 =	vld.idx.msk [tilespmem:v1+s0+$0x10 ss:$0x1], $0xffff;
	v60 =	vmul.f32 v54, v7;
	v2 =	vadd.f32 v2, v3  }
0x13f: {  	v61 =	vld.idx.msk [tilespmem:v0+s0+$0x0 ss:$0x1], $0xffff  }
0x140: {  	v62 =	vmul.f32 v56, v55;
	v2 =	vadd.f32 v60, v2;
	_ =	sdelay $0x1  }
0x141: {  	s19 =	sshll.u32 s29, $0x4;
	s29 =	sadd.s32 $0x1, s29;
	v63 =	vmul.f32 v58, v57;
	v2 =	vadd.f32 v62, v2  }
0x142: {  	p0 =	sne.s32 s29, $0x8  }
.Ltmp11:
0x143: {  	v0 =	vmul.f32 v61, v59;
	v2 =	vadd.f32 v63, v2;
	(pc) =	sbr.rel @p0 .LBB2_22-.Ltmp11, $4  }
0x144: {  	_ = 	snop  }
0x145: {  	v0 =	vadd.f32 v0, v2  }
0x146: {  	s0 =	sand.u32 $0x3FFFFFF0, s19  }
0x147: {  	s30 =	sadd.s32 $0x400, s30;
	s31 =	sadd.s32 $0x400, s31;
	[tilespmem:s0+$0x18480] =	vst v0  }
0x148: {  	_ =	swait.ge [sflag:s18], $0x2000  }
0x149: {  	[sflag:s18] =	ssyncset.done $0x0  }
0x14a: {  	[sflag:s18] =	ssyncadd.s32 $0xFFFFE000  }
0x14b: {  	_ =	swait.ge [sflag:s18], $0x2000  }
0x14c: {  	s29 =	simm.s32 $0x0;
	[sflag:s18] =	ssyncset.done $0x0  }
0x14d: {  	s30 =	simm.s32 $0x14420;
	s31 =	simm.s32 $0x16430;
	[sflag:s18] =	ssyncadd.s32 $0xFFFFE000  }
.LBB2_26:
0x14e: {  	v1 =	vmov s30  }
0x14f: {  	v0 =	vmov s31;
	_ =	sdelay $0x2  }
0x150: {  	s1 =	simm.s32 $0x0  }
0x151: {  	v7 =	vld.idx.msk [tilespmem:v1+s1+$0xFFFFFFE0 ss:$0x1], $0xffff  }
0x152: {  	v9 =	vld.idx.msk [tilespmem:v0+s1+$0xFFFFFFD0 ss:$0x1], $0xffff  }
0x153: {  	v4 =	vld.idx.msk [tilespmem:v1+s1+$0xFFFFFFF0 ss:$0x1], $0xffff  }
0x154: {  	v8 =	vld.idx.msk [tilespmem:v0+s1+$0xFFFFFFE0 ss:$0x1], $0xffff  }
0x155: {  	v3 =	vld.idx.msk [tilespmem:v1+s1+$0x0 ss:$0x1], $0xffff  }
0x156: {  	v5 =	vld.idx.msk [tilespmem:v0+s1+$0xFFFFFFF0 ss:$0x1], $0xffff  }
0x157: {  	v2 =	vld.idx.msk [tilespmem:v1+s1+$0x10 ss:$0x1], $0xffff  }
0x158: {  	s0 =	simm.s32 $0x40;
	v6 =	vld.idx.msk [tilespmem:v0+s1+$0x0 ss:$0x1], $0xffff;
	v9 =	vmul.f32 v9, v7  }
0x159: {  	v10 =	vimm.f32 $0.0e+00;
	s1 =	simm.s32 $0x200;
	v7 =	vld.idx.msk [tilespmem:v1+s0+$0xFFFFFFE0 ss:$0x1], $0xffff  }
.LBB2_27:
0x15a: {  	p0 =	sne.s32 s1, $0xF00;
	v11 =	vld.idx.msk [tilespmem:v0+s0+$0xFFFFFFD0 ss:$0x1], $0xffff;
	v9 =	vadd.f32 v9, v10;
	v10 =	vmul.f32 v8, v4  }
0x15b: {  	v4 =	vld.idx.msk [tilespmem:v1+s0+$0xFFFFFFF0 ss:$0x1], $0xffff  }
0x15c: {  	v8 =	vld.idx.msk [tilespmem:v0+s0+$0xFFFFFFE0 ss:$0x1], $0xffff;
	v9 =	vadd.f32 v10, v9;
	v10 =	vmul.f32 v5, v3  }
.Ltmp12:
0x15d: {  	v3 =	vld.idx.msk [tilespmem:v1+s0+$0x0 ss:$0x1], $0xffff;
	(pc) =	sbr.rel @p0 .LBB2_27-.Ltmp12, $4  }
0x15e: {  	v12 =	vmul.f32 v6, v2;
	v5 =	vld.idx.msk [tilespmem:v0+s0+$0xFFFFFFF0 ss:$0x1], $0xffff;
	v10 =	vadd.f32 v10, v9  }
0x15f: {  	v2 =	vld.idx.msk [tilespmem:v1+s0+$0x10 ss:$0x1], $0xffff  }
0x160: {  	v9 =	vmul.f32 v11, v7;
	v6 =	vld.idx.msk [tilespmem:v0+s0+$0x0 ss:$0x1], $0xffff;
	s0 =	sshra.s32 s1, $0x2;
	v10 =	vadd.f32 v12, v10  }
0x161: {  	s1 =	sadd.s32 $0x100, s1;
	v7 =	vld.idx.msk [tilespmem:v1+s0+$0xFFFFFFE0 ss:$0x1], $0xffff  }
0x162: {  	_ =	sdelay $0x2  }
0x163: {  	v9 =	vadd.f32 v9, v10;
	v4 =	vmul.f32 v8, v4  }
0x164: {  	v54 =	vld.idx.msk [tilespmem:v0+s0+$0xFFFFFFD0 ss:$0x1], $0xffff  }
0x165: {  	v55 =	vld.idx.msk [tilespmem:v1+s0+$0xFFFFFFF0 ss:$0x1], $0xffff;
	v3 =	vmul.f32 v5, v3;
	v4 =	vadd.f32 v4, v9  }
0x166: {  	v56 =	vld.idx.msk [tilespmem:v0+s0+$0xFFFFFFE0 ss:$0x1], $0xffff  }
0x167: {  	v57 =	vld.idx.msk [tilespmem:v1+s0+$0x0 ss:$0x1], $0xffff;
	v2 =	vmul.f32 v6, v2;
	v3 =	vadd.f32 v3, v4  }
0x168: {  	v58 =	vld.idx.msk [tilespmem:v0+s0+$0xFFFFFFF0 ss:$0x1], $0xffff  }
0x169: {  	v59 =	vld.idx.msk [tilespmem:v1+s0+$0x10 ss:$0x1], $0xffff;
	v60 =	vmul.f32 v54, v7;
	v2 =	vadd.f32 v2, v3  }
0x16a: {  	v61 =	vld.idx.msk [tilespmem:v0+s0+$0x0 ss:$0x1], $0xffff  }
0x16b: {  	v62 =	vmul.f32 v56, v55;
	v2 =	vadd.f32 v60, v2;
	_ =	sdelay $0x1  }
0x16c: {  	s19 =	sshll.u32 s29, $0x4;
	s29 =	sadd.s32 $0x1, s29;
	v63 =	vmul.f32 v58, v57;
	v2 =	vadd.f32 v62, v2  }
0x16d: {  	p0 =	sne.s32 s29, $0x8  }
.Ltmp13:
0x16e: {  	v0 =	vmul.f32 v61, v59;
	v2 =	vadd.f32 v63, v2;
	(pc) =	sbr.rel @p0 .LBB2_26-.Ltmp13, $4  }
0x16f: {  	_ = 	snop  }
0x170: {  	v0 =	vadd.f32 v0, v2  }
0x171: {  	s0 =	sand.u32 $0x3FFFFFF0, s19  }
0x172: {  	s30 =	sadd.s32 $0x400, s30;
	s31 =	sadd.s32 $0x400, s31;
	[tilespmem:s0+$0x18500] =	vst v0  }
0x173: {  	_ =	swait.ge [sflag:s16], $0x2000  }
0x174: {  	[sflag:s16] =	ssyncset.done $0x0  }
0x175: {  	[sflag:s16] =	ssyncadd.s32 $0xFFFFE000  }
0x176: {  	_ =	swait.ge [sflag:s16], $0x2000  }
0x177: {  	s29 =	simm.s32 $0x0;
	[sflag:s16] =	ssyncset.done $0x0  }
0x178: {  	s30 =	simm.s32 $0xC420;
	s31 =	simm.s32 $0xE430;
	[sflag:s16] =	ssyncadd.s32 $0xFFFFE000  }
.LBB2_30:
0x179: {  	v1 =	vmov s30  }
0x17a: {  	v0 =	vmov s31;
	_ =	sdelay $0x2  }
0x17b: {  	s1 =	simm.s32 $0x0  }
0x17c: {  	v7 =	vld.idx.msk [tilespmem:v1+s1+$0xFFFFFFE0 ss:$0x1], $0xffff  }
0x17d: {  	v9 =	vld.idx.msk [tilespmem:v0+s1+$0xFFFFFFD0 ss:$0x1], $0xffff  }
0x17e: {  	v4 =	vld.idx.msk [tilespmem:v1+s1+$0xFFFFFFF0 ss:$0x1], $0xffff  }
0x17f: {  	v8 =	vld.idx.msk [tilespmem:v0+s1+$0xFFFFFFE0 ss:$0x1], $0xffff  }
0x180: {  	v3 =	vld.idx.msk [tilespmem:v1+s1+$0x0 ss:$0x1], $0xffff  }
0x181: {  	v5 =	vld.idx.msk [tilespmem:v0+s1+$0xFFFFFFF0 ss:$0x1], $0xffff  }
0x182: {  	v2 =	vld.idx.msk [tilespmem:v1+s1+$0x10 ss:$0x1], $0xffff  }
0x183: {  	s0 =	simm.s32 $0x40;
	v6 =	vld.idx.msk [tilespmem:v0+s1+$0x0 ss:$0x1], $0xffff;
	v9 =	vmul.f32 v9, v7  }
0x184: {  	v10 =	vimm.f32 $0.0e+00;
	s1 =	simm.s32 $0x200;
	v7 =	vld.idx.msk [tilespmem:v1+s0+$0xFFFFFFE0 ss:$0x1], $0xffff  }
.LBB2_31:
0x185: {  	p0 =	sne.s32 s1, $0xF00;
	v11 =	vld.idx.msk [tilespmem:v0+s0+$0xFFFFFFD0 ss:$0x1], $0xffff;
	v9 =	vadd.f32 v9, v10;
	v10 =	vmul.f32 v8, v4  }
0x186: {  	v4 =	vld.idx.msk [tilespmem:v1+s0+$0xFFFFFFF0 ss:$0x1], $0xffff  }
0x187: {  	v8 =	vld.idx.msk [tilespmem:v0+s0+$0xFFFFFFE0 ss:$0x1], $0xffff;
	v9 =	vadd.f32 v10, v9;
	v10 =	vmul.f32 v5, v3  }
.Ltmp14:
0x188: {  	v3 =	vld.idx.msk [tilespmem:v1+s0+$0x0 ss:$0x1], $0xffff;
	(pc) =	sbr.rel @p0 .LBB2_31-.Ltmp14, $4  }
0x189: {  	v12 =	vmul.f32 v6, v2;
	v5 =	vld.idx.msk [tilespmem:v0+s0+$0xFFFFFFF0 ss:$0x1], $0xffff;
	v10 =	vadd.f32 v10, v9  }
0x18a: {  	v2 =	vld.idx.msk [tilespmem:v1+s0+$0x10 ss:$0x1], $0xffff  }
0x18b: {  	v9 =	vmul.f32 v11, v7;
	v6 =	vld.idx.msk [tilespmem:v0+s0+$0x0 ss:$0x1], $0xffff;
	s0 =	sshra.s32 s1, $0x2;
	v10 =	vadd.f32 v12, v10  }
0x18c: {  	s1 =	sadd.s32 $0x100, s1;
	v7 =	vld.idx.msk [tilespmem:v1+s0+$0xFFFFFFE0 ss:$0x1], $0xffff  }
0x18d: {  	_ =	sdelay $0x2  }
0x18e: {  	v9 =	vadd.f32 v9, v10;
	v4 =	vmul.f32 v8, v4  }
0x18f: {  	v54 =	vld.idx.msk [tilespmem:v0+s0+$0xFFFFFFD0 ss:$0x1], $0xffff  }
0x190: {  	v55 =	vld.idx.msk [tilespmem:v1+s0+$0xFFFFFFF0 ss:$0x1], $0xffff;
	v3 =	vmul.f32 v5, v3;
	v4 =	vadd.f32 v4, v9  }
0x191: {  	v56 =	vld.idx.msk [tilespmem:v0+s0+$0xFFFFFFE0 ss:$0x1], $0xffff  }
0x192: {  	v57 =	vld.idx.msk [tilespmem:v1+s0+$0x0 ss:$0x1], $0xffff;
	v2 =	vmul.f32 v6, v2;
	v3 =	vadd.f32 v3, v4  }
0x193: {  	v58 =	vld.idx.msk [tilespmem:v0+s0+$0xFFFFFFF0 ss:$0x1], $0xffff  }
0x194: {  	v59 =	vld.idx.msk [tilespmem:v1+s0+$0x10 ss:$0x1], $0xffff;
	v60 =	vmul.f32 v54, v7;
	v2 =	vadd.f32 v2, v3  }
0x195: {  	v61 =	vld.idx.msk [tilespmem:v0+s0+$0x0 ss:$0x1], $0xffff  }
0x196: {  	v62 =	vmul.f32 v56, v55;
	v2 =	vadd.f32 v60, v2;
	_ =	sdelay $0x1  }
0x197: {  	s19 =	sshll.u32 s29, $0x4;
	s29 =	sadd.s32 $0x1, s29;
	v63 =	vmul.f32 v58, v57;
	v2 =	vadd.f32 v62, v2  }
0x198: {  	p0 =	sne.s32 s29, $0x8  }
.Ltmp15:
0x199: {  	v0 =	vmul.f32 v61, v59;
	v2 =	vadd.f32 v63, v2;
	(pc) =	sbr.rel @p0 .LBB2_30-.Ltmp15, $4  }
0x19a: {  	_ = 	snop  }
0x19b: {  	v0 =	vadd.f32 v0, v2  }
0x19c: {  	s0 =	sand.u32 $0x3FFFFFF0, s19  }
0x19d: {  	s30 =	sadd.s32 $0x400, s30;
	s31 =	sadd.s32 $0x400, s31;
	[tilespmem:s0+$0x18580] =	vst v0  }
0x19e: {  	s28 =	sadd.s32 $0x1, s28  }
0x19f: {  	p0 =	sne.s32 s28, s13  }
.Ltmp16:
0x1a0: {  	s0 =	simm.s32 $0x18400;
	(pc) =	sbr.rel @p0 .LBB2_1-.Ltmp16, $4  }
0x1a1: {  	[hbm4b:s12+s3] =	stream.linear.scatter [tilespmem:s0], [sflag:$0x5], $0x200, $0x38;
	[tilespmem:$0x18600] =	vst v63  }
0x1a2: {  	_ =	swait.ge [sflag:s20], $0x200  }
0x1a3: {  	[sflag:s20] =	ssyncset.done $0x0  }
0x1a4: {  	[sflag:s20] =	ssyncadd.s32 $0xFFFFFE00  }
0x1a5: {  	_ =	sfence.sel $0x180000  }
0x1a6: {  	[bflag:$0x0] =	sbarrier.arrive $0xFFFF  }
0x1a7: {  	_ =	strace $0x90000047  }
0x1a8: {  	s0 =	stileid.u32;
	[bflag:$0x2] =	sbarrier.arrive $0xFFFF  }
0x1a9: {  	p0 =	sne.s32 s0, $0x0;
	s0 =	rddreg [dreg:$0x3]  }
0x1aa: {  	s0 =	sadd.s32 @!p0 $0x100000, s0  }
0x1ab: {  	[sflag:s0] =	ssyncadd.tile.s32 @!p0 $0x1;
	_ =	shalt  }
.Lfunc_end2:
_tile_overlayer_lowered:
.L_overlay_start_2:
0x1ac: {  	(tag) =	ssettag $0x2  }
0x1ad: {  	s0 =	rddreg [dreg:$0x0];
	s2 =	stileid.u32  }
0x1ae: {  	s1 =	rddreg [dreg:$0x1];
	p0 =	sne.s32 s2, $0x0  }
0x1af: {  	s3 =	rddreg [dreg:$0x2];
	[bflag:$0x3] =	sbarrier.arrive $0xFFFF;
	s2 =	simm.s32 @!p0 $0x1C05  }
0x1b0: {  	[timem:s3], [sflag:s2] =	dma.local @!p0 [hbm:s0], s1  }
0x1b1: {  	s0 =	simm.s32 @!p0 $0x5  }
0x1b2: {  	_ =	swait.ge @!p0 [sflag:s0], s1  }
0x1b3: {  	s1 =	ssub.s32 @!p0 $0x0, s1;
	[sflag:s0] =	ssyncset.done @!p0 $0x0  }
0x1b4: {  	[sflag:s0] =	ssyncadd.s32 @!p0 s1  }
0x1b5: {  	[bflag:$0x3] =	sbarrier.arrive $0xFFFF  }
0x1b6: {  	_ =	shalt  }

</sc_bundles>
